<compile_context>
chip_gen: v7x
topology: tpu7x:2x2x1
jax: 0.10.2.dev20260603
libtpu: 0.0.44.dev20260713+nightly
codegen_flags: <defaults>
</compile_context>

<pallas_src>
import functools

import jax
import jax.numpy as jnp
from jax import lax
from jax.experimental import pallas as pl
from jax.experimental.pallas import tpu as pltpu
from jax.experimental.pallas import tpu_sc as plsc

T = 2048
H = 768
NL = 24
NR = 16
FF = 512
SCALE = 2.5
TM = 128
NT = 48
NSLOT = NT * TM
NSLOTB = NSLOT + TM
H2 = H // 2
NW = 32
TW = T // NW
CH = 256
NCH = T // CH


def _router_body(x_ref, wct_ref, bias_ref,
                 w01_ref, zw_ref, p1_ref, p2_ref, eot_ref, nact_ref, xp_ref,
                 s_cnt, s_e1, s_e2):
    x = x_ref[...]
    xlo = lax.bitcast_convert_type(x[:, :H2].astype(jnp.bfloat16),
                                   jnp.int16).astype(jnp.int32)
    xhi = lax.bitcast_convert_type(x[:, H2:].astype(jnp.bfloat16),
                                   jnp.int16).astype(jnp.int32)
    xp_ref[...] = (xlo & 0xFFFF) | (xhi << 16)
    logits = jnp.dot(x, wct_ref[...], preferred_element_type=jnp.float32)
    scores = jax.nn.sigmoid(logits)
    biased = scores + bias_ref[...]

    col = lax.broadcasted_iota(jnp.int32, (T, NL), 1)
    m1 = jnp.max(biased, axis=1, keepdims=True)
    i1 = jnp.min(jnp.where(biased == m1, col, NL), axis=1, keepdims=True)
    b2 = jnp.where(col == i1, -1e30, biased)
    m2 = jnp.max(b2, axis=1, keepdims=True)
    i2 = jnp.min(jnp.where(b2 == m2, col, NL), axis=1, keepdims=True)

    w1 = jnp.sum(jnp.where(col == i1, scores, 0.0), axis=1, keepdims=True)
    w2 = jnp.sum(jnp.where(col == i2, scores, 0.0), axis=1, keepdims=True)
    s = w1 + w2 + 1e-20
    w1 = w1 / s
    w2 = w2 / s
    zm1 = i1 >= NR
    zm2 = i2 >= NR
    zw = jnp.where(zm1, w1, 0.0) + jnp.where(zm2, w2, 0.0)
    w1 = jnp.where(zm1, 0.0, w1)
    w2 = jnp.where(zm2, 0.0, w2)
    e1 = jnp.where(zm1, NR, i1)
    e2 = jnp.where(zm2, NR, i2)

    w01_ref[:, 0:1] = w1 * SCALE
    w01_ref[:, 1:2] = w2 * SCALE
    zw_ref[...] = zw

    ecol = lax.broadcasted_iota(jnp.int32, (T, NR), 1)
    c1 = (e1 == ecol).astype(jnp.float32)
    c2 = (e2 == ecol).astype(jnp.float32)
    cnt = c1 + c2
    s_cnt[...] = cnt
    s_e1[...] = e1
    s_e2[...] = e2

    n = jnp.sum(cnt, axis=0, keepdims=True)
    ntiles = jnp.floor((n + (TM - 1)) * (1.0 / TM))
    a_i = lax.broadcasted_iota(jnp.int32, (NR, NR), 0)
    b_i = lax.broadcasted_iota(jnp.int32, (NR, NR), 1)
    strict_lower = (a_i < b_i).astype(jnp.float32)
    off_tiles = jnp.dot(ntiles, strict_lower,
                        preferred_element_type=jnp.float32)
    cum_incl = off_tiles + ntiles
    off128 = off_tiles * TM

    j_i = lax.broadcasted_iota(jnp.int32, (NT, NR), 0).astype(jnp.float32)
    e_of_j = jnp.sum((j_i >= cum_incl).astype(jnp.float32), axis=1,
                     keepdims=True)
    eot_ref[...] = jnp.minimum(e_of_j, NR - 1).astype(jnp.int32)
    nact = jnp.sum(ntiles, axis=1, keepdims=True)
    nact_ref[...] = nact.astype(jnp.int32)

    r_i = lax.broadcasted_iota(jnp.int32, (CH, CH), 0)
    q_i = lax.broadcasted_iota(jnp.int32, (CH, CH), 1)
    tri = (q_i < r_i).astype(jnp.float32)

    def body(i, run):
        ch = s_cnt[pl.ds(i * CH, CH), :]
        ex = jnp.dot(tri, ch, preferred_element_type=jnp.float32) + run
        slot = off128 + ex
        e1c = s_e1[pl.ds(i * CH, CH), :]
        e2c = s_e2[pl.ds(i * CH, CH), :]
        ecolc = lax.broadcasted_iota(jnp.int32, (CH, NR), 1)
        c1c = (e1c == ecolc).astype(jnp.float32)
        p1 = jnp.sum(jnp.where(e1c == ecolc, slot, 0.0), axis=1,
                     keepdims=True)
        p2 = jnp.sum(jnp.where(e2c == ecolc, slot + c1c, 0.0), axis=1,
                     keepdims=True)
        row = lax.broadcasted_iota(jnp.int32, (CH, 1), 0) + i * CH
        wid = lax.shift_right_logical(row, 6)
        d1 = NSLOT + 2 * wid
        d2 = d1 + 1
        p1i = jnp.where(e1c == NR, d1, p1.astype(jnp.int32))
        p2i = jnp.where(e2c == NR, d2, p2.astype(jnp.int32))
        p1_ref[pl.ds(i * CH, CH), :] = p1i
        p2_ref[pl.ds(i * CH, CH), :] = p2i
        return run + jnp.sum(ch, axis=0, keepdims=True)

    lax.fori_loop(0, NCH, body, jnp.zeros((1, NR), jnp.float32))


def _run_router(x, wct, bias):
    return pl.pallas_call(
        _router_body,
        grid=(1,),
        in_specs=[
            pl.BlockSpec((T, H), lambda i: (0, 0)),
            pl.BlockSpec((H, NL), lambda i: (0, 0)),
            pl.BlockSpec((1, NL), lambda i: (0, 0)),
        ],
        out_specs=[
            pl.BlockSpec((T, 2), lambda i: (0, 0)),
            pl.BlockSpec((T, 1), lambda i: (0, 0)),
            pl.BlockSpec((T, 1), lambda i: (0, 0)),
            pl.BlockSpec((T, 1), lambda i: (0, 0)),
            pl.BlockSpec((NT, 1), lambda i: (0, 0)),
            pl.BlockSpec((1, 1), lambda i: (0, 0)),
            pl.BlockSpec((T, H2), lambda i: (0, 0)),
        ],
        out_shape=[
            jax.ShapeDtypeStruct((T, 2), jnp.float32),
            jax.ShapeDtypeStruct((T, 1), jnp.float32),
            jax.ShapeDtypeStruct((T, 1), jnp.int32),
            jax.ShapeDtypeStruct((T, 1), jnp.int32),
            jax.ShapeDtypeStruct((NT, 1), jnp.int32),
            jax.ShapeDtypeStruct((1, 1), jnp.int32),
            jax.ShapeDtypeStruct((T, H2), jnp.int32),
        ],
        scratch_shapes=[
            pltpu.VMEM((T, NR), jnp.float32),
            pltpu.VMEM((T, 1), jnp.int32),
            pltpu.VMEM((T, 1), jnp.int32),
        ],
    )(x, wct, bias)


def _scatter_body(x_hbm, p1_hbm, p2_hbm, out_hbm, xr, i1, i2, sem, semi,
                  sem2):
    wid = lax.axis_index("s") * 2 + lax.axis_index("c")
    base = wid * TW
    ci1 = pltpu.async_copy(p1_hbm.at[wid], i1, semi)
    ci2 = pltpu.async_copy(p2_hbm.at[wid], i2, semi)
    cx = pltpu.async_copy(x_hbm.at[pl.ds(base, TW)], xr, sem)
    ci1.wait()
    ci2.wait()
    cx.wait()
    s1 = pltpu.async_copy(xr, out_hbm.at[i1], sem)
    s2 = pltpu.async_copy(xr, out_hbm.at[i2], sem2)
    s1.wait()
    s2.wait()


@functools.lru_cache(maxsize=None)
def _make_scatter():
    return pl.kernel(
        _scatter_body,
        out_type=jax.ShapeDtypeStruct((NSLOTB, H2), jnp.int32),
        mesh=plsc.VectorSubcoreMesh(core_axis_name="c", subcore_axis_name="s"),
        scratch_types=[
            pltpu.VMEM((TW, H2), jnp.int32),
            pltpu.VMEM((TW,), jnp.int32),
            pltpu.VMEM((TW,), jnp.int32),
            pltpu.SemaphoreType.DMA,
            pltpu.SemaphoreType.DMA,
            pltpu.SemaphoreType.DMA,
        ],
    )


def _gather_body(y_hbm, g1_hbm, g2_hbm, y1_hbm, y2_hbm, i1, i2, rows1, rows2,
                 sem, semi, sem2):
    wid = lax.axis_index("s") * 2 + lax.axis_index("c")
    base = wid * TW
    ci1 = pltpu.async_copy(g1_hbm.at[wid], i1, semi)
    ci2 = pltpu.async_copy(g2_hbm.at[wid], i2, semi)
    ci1.wait()
    ci2.wait()
    g1 = pltpu.async_copy(y_hbm.at[i1], rows1, sem)
    g2 = pltpu.async_copy(y_hbm.at[i2], rows2, sem2)
    g1.wait()
    o1 = pltpu.async_copy(rows1, y1_hbm.at[pl.ds(base, TW)], sem)
    g2.wait()
    o2 = pltpu.async_copy(rows2, y2_hbm.at[pl.ds(base, TW)], sem2)
    o1.wait()
    o2.wait()


@functools.lru_cache(maxsize=None)
def _make_gather():
    return pl.kernel(
        _gather_body,
        out_type=[
            jax.ShapeDtypeStruct((T, H2), jnp.int32),
            jax.ShapeDtypeStruct((T, H2), jnp.int32),
        ],
        mesh=plsc.VectorSubcoreMesh(core_axis_name="c", subcore_axis_name="s"),
        scratch_types=[
            pltpu.VMEM((TW,), jnp.int32),
            pltpu.VMEM((TW,), jnp.int32),
            pltpu.VMEM((TW, H2), jnp.int32),
            pltpu.VMEM((TW, H2), jnp.int32),
            pltpu.SemaphoreType.DMA,
            pltpu.SemaphoreType.DMA,
            pltpu.SemaphoreType.DMA,
        ],
    )


def _expert_body(eot_s, nact_s, xs_ref, wg_ref, wu_ref, wd_ref, y_ref):
    j = pl.program_id(0)

    @pl.when(j < nact_s[0])
    def _():
        xslo, xshi = _unpack(xs_ref[...])
        xs = jnp.concatenate([xslo, xshi], axis=1)
        g = lax.dot_general(xs, wg_ref[0], (((1,), (1,)), ((), ())),
                            precision=lax.Precision.DEFAULT,
                            preferred_element_type=jnp.float32)
        u = lax.dot_general(xs, wu_ref[0], (((1,), (1,)), ((), ())),
                            precision=lax.Precision.DEFAULT,
                            preferred_element_type=jnp.float32)
        h = g * jax.nn.sigmoid(g) * u
        y = lax.dot_general(h, wd_ref[0], (((1,), (1,)), ((), ())),
                            precision=lax.Precision.DEFAULT,
                            preferred_element_type=jnp.float32)
        lo = lax.bitcast_convert_type(y[:, :H2].astype(jnp.bfloat16),
                                      jnp.int16).astype(jnp.int32)
        hi = lax.bitcast_convert_type(y[:, H2:].astype(jnp.bfloat16),
                                      jnp.int16).astype(jnp.int32)
        y_ref[...] = (lo & 0xFFFF) | (hi << 16)


def _run_experts(eot, nact, xs, w_gate, w_up, w_down):
    return pl.pallas_call(
        _expert_body,
        grid_spec=pltpu.PrefetchScalarGridSpec(
            num_scalar_prefetch=2,
            grid=(NT,),
            in_specs=[
                pl.BlockSpec((TM, H2), lambda j, eot, nact: (j, 0)),
                pl.BlockSpec((1, FF, H), lambda j, eot, nact: (eot[j], 0, 0)),
                pl.BlockSpec((1, FF, H), lambda j, eot, nact: (eot[j], 0, 0)),
                pl.BlockSpec((1, H, FF), lambda j, eot, nact: (eot[j], 0, 0)),
            ],
            out_specs=pl.BlockSpec((TM, H2), lambda j, eot, nact: (j, 0)),
        ),
        out_shape=jax.ShapeDtypeStruct((NSLOTB, H2), jnp.int32),
    )(eot, nact, xs, w_gate, w_up, w_down)


def _unpack(p):
    lo = lax.bitcast_convert_type((p & 0xFFFF).astype(jnp.int16),
                                  jnp.bfloat16).astype(jnp.float32)
    hi = lax.bitcast_convert_type(
        lax.shift_right_logical(p, 16).astype(jnp.int16),
        jnp.bfloat16).astype(jnp.float32)
    return lo, hi


def _combine_body(x_ref, y1_ref, y2_ref, w_ref, zw_ref, out_ref):
    w1 = w_ref[:, 0:1]
    w2 = w_ref[:, 1:2]
    y1lo, y1hi = _unpack(y1_ref[...])
    y2lo, y2hi = _unpack(y2_ref[...])
    zx = zw_ref[...] * x_ref[...]
    out_ref[:, :H2] = (jnp.where(w1 > 0.0, w1 * y1lo, 0.0)
                       + jnp.where(w2 > 0.0, w2 * y2lo, 0.0) + zx[:, :H2])
    out_ref[:, H2:] = (jnp.where(w1 > 0.0, w1 * y1hi, 0.0)
                       + jnp.where(w2 > 0.0, w2 * y2hi, 0.0) + zx[:, H2:])


def _run_combine(x, y1, y2, w01, zw):
    blk = 256
    return pl.pallas_call(
        _combine_body,
        grid=(T // blk,),
        in_specs=[
            pl.BlockSpec((blk, H), lambda i: (i, 0)),
            pl.BlockSpec((blk, H2), lambda i: (i, 0)),
            pl.BlockSpec((blk, H2), lambda i: (i, 0)),
            pl.BlockSpec((blk, 2), lambda i: (i, 0)),
            pl.BlockSpec((blk, 1), lambda i: (i, 0)),
        ],
        out_specs=pl.BlockSpec((blk, H), lambda i: (i, 0)),
        out_shape=jax.ShapeDtypeStruct((T, H), jnp.float32),
    )(x, y1, y2, w01, zw)


def kernel(hidden_states, num_global_tokens, max_num_tokens_per_gpu,
           classifier_w, correction_bias, w_gate, w_up, w_down):
    x = hidden_states.astype(jnp.float32)
    wct = classifier_w.astype(jnp.float32).T
    bias = correction_bias.astype(jnp.float32).reshape(1, NL)

    w01, zw, p1, p2, eot, nact, xp = _run_router(x, wct, bias)
    p1w = p1.reshape(NW, TW)
    p2w = p2.reshape(NW, TW)

    xs = _make_scatter()(xp, p1w, p2w)
    y = _run_experts(eot.reshape(NT), nact.reshape(1), xs, w_gate, w_up,
                     w_down)
    y1, y2 = _make_gather()(y, p1w, p2w)
    return _run_combine(x, y1, y2, w01, zw)

# --- scband reference (transcript-rebuilt; emitter-appended) ---
"""Pipeline reference for scband-runtime-longcat-decoder-layer-78752520339556 (READ-ONLY COPY).

The authoritative reference and input builder live on the scoring server;
editing this copy changes nothing except your own understanding.
"""

import jax, jax.numpy as jnp
import numpy as np

T = 2048
HIDDEN = 768
N_ROUTED = 16
ZERO_EXPERT_NUM = 8
NUM_LOGITS = N_ROUTED + ZERO_EXPERT_NUM
TOP_K = 2
FF = 512
ROUTED_SCALING_FACTOR = 2.5


def _silu(x):
    return x * jax.nn.sigmoid(x)


def _moe_forward(hidden_states, classifier_w, correction_bias, w_gate, w_up, w_down):
    # Router: F.linear(hidden.float(), classifier_w.float()) -> fp32 logits over routed + zero experts
    x = hidden_states.astype(jnp.float32)
    logits = x @ classifier_w.astype(jnp.float32).T  # [T, NUM_LOGITS]
    # DeepSeekV3-style routing: sigmoid scores, select with e_score_correction_bias,
    # gather original scores as weights, renormalize (norm_topk_prob=True)
    scores = jax.nn.sigmoid(logits)
    biased = scores + correction_bias[None, :].astype(jnp.float32)
    _, topk_ids = jax.lax.top_k(biased, TOP_K)                     # [T, K] int32
    topk_weights = jnp.take_along_axis(scores, topk_ids, axis=-1)  # [T, K]
    topk_weights = topk_weights / (jnp.sum(topk_weights, axis=-1, keepdims=True) + 1e-20)
    # Zero experts (_apply_zero_experts, zero_expert_type='identity'):
    zero_mask = topk_ids >= N_ROUTED
    zero_weight = jnp.sum(jnp.where(zero_mask, topk_weights, 0.0), axis=-1, keepdims=True)  # [T, 1]
    topk_weights = jnp.where(zero_mask, 0.0, topk_weights)
    topk_ids = jnp.where(zero_mask, 0, topk_ids)
    # Combine matrix [T, E] via scatter-add of topk weights
    tok = jnp.arange(x.shape[0])[:, None]
    combine = jnp.zeros((x.shape[0], N_ROUTED), jnp.float32).at[tok, topk_ids].add(topk_weights)
    # Routed experts: silu-gated MLP per expert (dense-dispatch reference formulation)
    g = jnp.einsum('td,efd->tef', x, w_gate)
    u = jnp.einsum('td,efd->tef', x, w_up)
    h = _silu(g) * u
    y = jnp.einsum('tef,edf->ted', h, w_down)
    routed = jnp.einsum('ted,te->td', y, combine)
    # routed_expert_output *= routed_scaling_factor; then add zero-expert identity branch
    out = routed * ROUTED_SCALING_FACTOR + x * zero_weight
    return out


def setup_inputs(seed: int = 0) -> dict:
    key = jax.random.key(seed)
    ks = jax.random.split(key, 6)
    return {
        "hidden_states": jax.random.normal(ks[0], (T, HIDDEN), dtype=jnp.float32),
        "num_global_tokens": T,
        "max_num_tokens_per_gpu": T,
        "classifier_w": jax.random.normal(ks[1], (NUM_LOGITS, HIDDEN), dtype=jnp.float32) * 0.02,
        "correction_bias": jax.random.normal(ks[2], (NUM_LOGITS,), dtype=jnp.float32) * 0.01,
        "w_gate": jax.random.normal(ks[3], (N_ROUTED, FF, HIDDEN), dtype=jnp.float32) * 0.02,
        "w_up": jax.random.normal(ks[4], (N_ROUTED, FF, HIDDEN), dtype=jnp.float32) * 0.02,
        "w_down": jax.random.normal(ks[5], (N_ROUTED, HIDDEN, FF), dtype=jnp.float32) * 0.02,
    }


def reference(hidden_states, num_global_tokens, max_num_tokens_per_gpu, classifier_w, correction_bias, w_gate, w_up, w_down):
    return _moe_forward(hidden_states, classifier_w, correction_bias, w_gate, w_up, w_down)

if __name__ == "__main__":
    import jax
    _d = setup_inputs()
    print(jax.jit(kernel)(*tuple(_d.values())))

</pallas_src>

<mosaic_0001>
#map = affine_map<(d0, d1) -> (0, 0)>
module attributes {stable_mosaic.version = 14 : i64} {
  func.func @_gather_body(%arg0: i32, %arg1: i32, %arg2: memref<6272x384xi32, #tpu.memory_space<hbm>>, %arg3: memref<32x64xi32, #tpu.memory_space<hbm>>, %arg4: memref<32x64xi32, #tpu.memory_space<hbm>>, %arg5: memref<2048x384xi32, #tpu.memory_space<hbm>>, %arg6: memref<2048x384xi32, #tpu.memory_space<hbm>>, %arg7: memref<64xi32, #tpu.memory_space<vmem>>, %arg8: memref<64xi32, #tpu.memory_space<vmem>>, %arg9: memref<64x384xi32, #tpu.memory_space<vmem>>, %arg10: memref<64x384xi32, #tpu.memory_space<vmem>>, %arg11: memref<!tpu.dma_semaphore, #tpu.memory_space<semaphore_mem>>, %arg12: memref<!tpu.dma_semaphore, #tpu.memory_space<semaphore_mem>>, %arg13: memref<!tpu.dma_semaphore, #tpu.memory_space<semaphore_mem>>) attributes {dimension_semantics = [#tpu.dimension_semantics<core_parallel>, #tpu.dimension_semantics<subcore_parallel>], iteration_bounds = array<i64: 2, 16>, scalar_prefetch = 0 : i64, scratch_operands = 7 : i64, tpu.core_type = #tpu.core_type<sc_vector_subcore>, window_params = [{transform_indices = #map}, {transform_indices = #map}, {transform_indices = #map}, {transform_indices = #map}, {transform_indices = #map}]} {
    %mul3A = arith.constant 2 : i32
    %mul3A_0 = arith.muli %arg1, %mul3A : i32
    %add3A = arith.addi %mul3A_0, %arg0 : i32
    %mul3A_1 = arith.constant 64 : i32
    %mul3A_2 = arith.muli %add3A, %mul3A_1 : i32
    %dma_start3A = arith.constant 0 : i32
    %dma_start3A_3 = tpu.memref_slice %arg3[%add3A, %dma_start3A] : memref<32x64xi32, #tpu.memory_space<hbm>> -> memref<1x64xi32, #tpu.memory_space<hbm>>
    %dma_start3A_4 = tpu.memref_squeeze %dma_start3A_3 : memref<1x64xi32, #tpu.memory_space<hbm>> -> memref<64xi32, #tpu.memory_space<hbm>>
    %dma_start3A_5 = arith.constant 0 : i32
    %dma_start3A_6 = tpu.memref_slice %arg3[%add3A, %dma_start3A_5] : memref<32x64xi32, #tpu.memory_space<hbm>> -> memref<1x64xi32, #tpu.memory_space<hbm>>
    %dma_start3A_7 = tpu.memref_squeeze %dma_start3A_6 : memref<1x64xi32, #tpu.memory_space<hbm>> -> memref<64xi32, #tpu.memory_space<hbm>>
    tpu.enqueue_dma source(%dma_start3A_7 : memref<64xi32, #tpu.memory_space<hbm>>) target(%arg7 : memref<64xi32, #tpu.memory_space<vmem>>) target_semaphore(%arg12 : memref<!tpu.dma_semaphore, #tpu.memory_space<semaphore_mem>>)
    %dma_start3A_8 = arith.constant 0 : i32
    %dma_start3A_9 = tpu.memref_slice %arg4[%add3A, %dma_start3A_8] : memref<32x64xi32, #tpu.memory_space<hbm>> -> memref<1x64xi32, #tpu.memory_space<hbm>>
    %dma_start3A_10 = tpu.memref_squeeze %dma_start3A_9 : memref<1x64xi32, #tpu.memory_space<hbm>> -> memref<64xi32, #tpu.memory_space<hbm>>
    %dma_start3A_11 = arith.constant 0 : i32
    %dma_start3A_12 = tpu.memref_slice %arg4[%add3A, %dma_start3A_11] : memref<32x64xi32, #tpu.memory_space<hbm>> -> memref<1x64xi32, #tpu.memory_space<hbm>>
    %dma_start3A_13 = tpu.memref_squeeze %dma_start3A_12 : memref<1x64xi32, #tpu.memory_space<hbm>> -> memref<64xi32, #tpu.memory_space<hbm>>
    tpu.enqueue_dma source(%dma_start3A_13 : memref<64xi32, #tpu.memory_space<hbm>>) target(%arg8 : memref<64xi32, #tpu.memory_space<vmem>>) target_semaphore(%arg12 : memref<!tpu.dma_semaphore, #tpu.memory_space<semaphore_mem>>)
    %dma_wait3A = arith.constant 0 : i32
    %dma_wait3A_14 = tpu.memref_slice %arg3[%add3A, %dma_wait3A] : memref<32x64xi32, #tpu.memory_space<hbm>> -> memref<1x64xi32, #tpu.memory_space<hbm>>
    %dma_wait3A_15 = tpu.memref_squeeze %dma_wait3A_14 : memref<1x64xi32, #tpu.memory_space<hbm>> -> memref<64xi32, #tpu.memory_space<hbm>>
    %dma_wait3A_16 = arith.constant 0 : i32
    %dma_wait3A_17 = tpu.memref_slice %arg3[%add3A, %dma_wait3A_16] : memref<32x64xi32, #tpu.memory_space<hbm>> -> memref<1x64xi32, #tpu.memory_space<hbm>>
    %dma_wait3A_18 = tpu.memref_squeeze %dma_wait3A_17 : memref<1x64xi32, #tpu.memory_space<hbm>> -> memref<64xi32, #tpu.memory_space<hbm>>
    tpu.wait_dma2 semaphore(%arg12 : memref<!tpu.dma_semaphore, #tpu.memory_space<semaphore_mem>>) src(%dma_wait3A_18 : memref<64xi32, #tpu.memory_space<hbm>>) dst(%arg7 : memref<64xi32, #tpu.memory_space<vmem>>)
    %dma_wait3A_19 = arith.constant 0 : i32
    %dma_wait3A_20 = tpu.memref_slice %arg4[%add3A, %dma_wait3A_19] : memref<32x64xi32, #tpu.memory_space<hbm>> -> memref<1x64xi32, #tpu.memory_space<hbm>>
    %dma_wait3A_21 = tpu.memref_squeeze %dma_wait3A_20 : memref<1x64xi32, #tpu.memory_space<hbm>> -> memref<64xi32, #tpu.memory_space<hbm>>
    %dma_wait3A_22 = arith.constant 0 : i32
    %dma_wait3A_23 = tpu.memref_slice %arg4[%add3A, %dma_wait3A_22] : memref<32x64xi32, #tpu.memory_space<hbm>> -> memref<1x64xi32, #tpu.memory_space<hbm>>
    %dma_wait3A_24 = tpu.memref_squeeze %dma_wait3A_23 : memref<1x64xi32, #tpu.memory_space<hbm>> -> memref<64xi32, #tpu.memory_space<hbm>>
    tpu.wait_dma2 semaphore(%arg12 : memref<!tpu.dma_semaphore, #tpu.memory_space<semaphore_mem>>) src(%dma_wait3A_24 : memref<64xi32, #tpu.memory_space<hbm>>) dst(%arg8 : memref<64xi32, #tpu.memory_space<vmem>>)
    %dma_start3A_25 = arith.constant 0 : i32
    %dma_start3A_26 = arith.constant 0 : i32
    %dma_start3A_27 = tpu.memref_slice %arg2[%dma_start3A_25, %dma_start3A_26] : memref<6272x384xi32, #tpu.memory_space<hbm>> -> memref<6272x384xi32, #tpu.memory_space<hbm>>
    tpu.enqueue_indirect_dma source(%dma_start3A_27 : memref<6272x384xi32, #tpu.memory_space<hbm>>) target(%arg9 : memref<64x384xi32, #tpu.memory_space<vmem>>) offsets(%arg7 : memref<64xi32, #tpu.memory_space<vmem>>) semaphore(%arg11 : memref<!tpu.dma_semaphore, #tpu.memory_space<semaphore_mem>>)
    %dma_start3A_28 = arith.constant 0 : i32
    %dma_start3A_29 = arith.constant 0 : i32
    %dma_start3A_30 = tpu.memref_slice %arg2[%dma_start3A_28, %dma_start3A_29] : memref<6272x384xi32, #tpu.memory_space<hbm>> -> memref<6272x384xi32, #tpu.memory_space<hbm>>
    tpu.enqueue_indirect_dma source(%dma_start3A_30 : memref<6272x384xi32, #tpu.memory_space<hbm>>) target(%arg10 : memref<64x384xi32, #tpu.memory_space<vmem>>) offsets(%arg8 : memref<64xi32, #tpu.memory_space<vmem>>) semaphore(%arg13 : memref<!tpu.dma_semaphore, #tpu.memory_space<semaphore_mem>>)
    %dma_wait3A_31 = arith.constant 0 : i32
    %dma_wait3A_32 = arith.constant 0 : i32
    %dma_wait3A_33 = tpu.memref_slice %arg2[%dma_wait3A_31, %dma_wait3A_32] : memref<6272x384xi32, #tpu.memory_space<hbm>> -> memref<6272x384xi32, #tpu.memory_space<hbm>>
    tpu.wait_indirect_dma semaphore(%arg11 : memref<!tpu.dma_semaphore, #tpu.memory_space<semaphore_mem>>) src(%dma_wait3A_33 : memref<6272x384xi32, #tpu.memory_space<hbm>>) dst(%arg9 : memref<64x384xi32, #tpu.memory_space<vmem>>)
    %dma_start3A_34 = arith.constant 0 : i32
    %dma_start3A_35 = tpu.memref_slice %arg5[%mul3A_2, %dma_start3A_34] : memref<2048x384xi32, #tpu.memory_space<hbm>> -> memref<64x384xi32, #tpu.memory_space<hbm>>
    %dma_start3A_36 = arith.constant 0 : i32
    %dma_start3A_37 = tpu.memref_slice %arg5[%mul3A_2, %dma_start3A_36] : memref<2048x384xi32, #tpu.memory_space<hbm>> -> memref<64x384xi32, #tpu.memory_space<hbm>>
    tpu.enqueue_dma source(%arg9 : memref<64x384xi32, #tpu.memory_space<vmem>>) target(%dma_start3A_37 : memref<64x384xi32, #tpu.memory_space<hbm>>) target_semaphore(%arg11 : memref<!tpu.dma_semaphore, #tpu.memory_space<semaphore_mem>>)
    %dma_wait3A_38 = arith.constant 0 : i32
    %dma_wait3A_39 = arith.constant 0 : i32
    %dma_wait3A_40 = tpu.memref_slice %arg2[%dma_wait3A_38, %dma_wait3A_39] : memref<6272x384xi32, #tpu.memory_space<hbm>> -> memref<6272x384xi32, #tpu.memory_space<hbm>>
    tpu.wait_indirect_dma semaphore(%arg13 : memref<!tpu.dma_semaphore, #tpu.memory_space<semaphore_mem>>) src(%dma_wait3A_40 : memref<6272x384xi32, #tpu.memory_space<hbm>>) dst(%arg10 : memref<64x384xi32, #tpu.memory_space<vmem>>)
    %dma_start3A_41 = arith.constant 0 : i32
    %dma_start3A_42 = tpu.memref_slice %arg6[%mul3A_2, %dma_start3A_41] : memref<2048x384xi32, #tpu.memory_space<hbm>> -> memref<64x384xi32, #tpu.memory_space<hbm>>
    %dma_start3A_43 = arith.constant 0 : i32
    %dma_start3A_44 = tpu.memref_slice %arg6[%mul3A_2, %dma_start3A_43] : memref<2048x384xi32, #tpu.memory_space<hbm>> -> memref<64x384xi32, #tpu.memory_space<hbm>>
    tpu.enqueue_dma source(%arg10 : memref<64x384xi32, #tpu.memory_space<vmem>>) target(%dma_start3A_44 : memref<64x384xi32, #tpu.memory_space<hbm>>) target_semaphore(%arg13 : memref<!tpu.dma_semaphore, #tpu.memory_space<semaphore_mem>>)
    %dma_wait3A_45 = arith.constant 0 : i32
    %dma_wait3A_46 = tpu.memref_slice %arg5[%mul3A_2, %dma_wait3A_45] : memref<2048x384xi32, #tpu.memory_space<hbm>> -> memref<64x384xi32, #tpu.memory_space<hbm>>
    %dma_wait3A_47 = arith.constant 0 : i32
    %dma_wait3A_48 = tpu.memref_slice %arg5[%mul3A_2, %dma_wait3A_47] : memref<2048x384xi32, #tpu.memory_space<hbm>> -> memref<64x384xi32, #tpu.memory_space<hbm>>
    tpu.wait_dma2 semaphore(%arg11 : memref<!tpu.dma_semaphore, #tpu.memory_space<semaphore_mem>>) src(%arg9 : memref<64x384xi32, #tpu.memory_space<vmem>>) dst(%dma_wait3A_48 : memref<64x384xi32, #tpu.memory_space<hbm>>)
    %dma_wait3A_49 = arith.constant 0 : i32
    %dma_wait3A_50 = tpu.memref_slice %arg6[%mul3A_2, %dma_wait3A_49] : memref<2048x384xi32, #tpu.memory_space<hbm>> -> memref<64x384xi32, #tpu.memory_space<hbm>>
    %dma_wait3A_51 = arith.constant 0 : i32
    %dma_wait3A_52 = tpu.memref_slice %arg6[%mul3A_2, %dma_wait3A_51] : memref<2048x384xi32, #tpu.memory_space<hbm>> -> memref<64x384xi32, #tpu.memory_space<hbm>>
    tpu.wait_dma2 semaphore(%arg13 : memref<!tpu.dma_semaphore, #tpu.memory_space<semaphore_mem>>) src(%arg10 : memref<64x384xi32, #tpu.memory_space<vmem>>) dst(%dma_wait3A_52 : memref<64x384xi32, #tpu.memory_space<hbm>>)
    return
  }
}

#map = affine_map<(d0, d1) -> (0, 0)>
module attributes {stable_mosaic.version = 14 : i64} {
  func.func @_scatter_body(%arg0: i32, %arg1: i32, %arg2: memref<2048x384xi32, #tpu.memory_space<hbm>>, %arg3: memref<32x64xi32, #tpu.memory_space<hbm>>, %arg4: memref<32x64xi32, #tpu.memory_space<hbm>>, %arg5: memref<6272x384xi32, #tpu.memory_space<hbm>>, %arg6: memref<64x384xi32, #tpu.memory_space<vmem>>, %arg7: memref<64xi32, #tpu.memory_space<vmem>>, %arg8: memref<64xi32, #tpu.memory_space<vmem>>, %arg9: memref<!tpu.dma_semaphore, #tpu.memory_space<semaphore_mem>>, %arg10: memref<!tpu.dma_semaphore, #tpu.memory_space<semaphore_mem>>, %arg11: memref<!tpu.dma_semaphore, #tpu.memory_space<semaphore_mem>>) attributes {dimension_semantics = [#tpu.dimension_semantics<core_parallel>, #tpu.dimension_semantics<subcore_parallel>], iteration_bounds = array<i64: 2, 16>, scalar_prefetch = 0 : i64, scratch_operands = 6 : i64, tpu.core_type = #tpu.core_type<sc_vector_subcore>, window_params = [{transform_indices = #map}, {transform_indices = #map}, {transform_indices = #map}, {transform_indices = #map}]} {
    %mul3A = arith.constant 2 : i32
    %mul3A_0 = arith.muli %arg1, %mul3A : i32
    %add3A = arith.addi %mul3A_0, %arg0 : i32
    %mul3A_1 = arith.constant 64 : i32
    %mul3A_2 = arith.muli %add3A, %mul3A_1 : i32
    %dma_start3A = arith.constant 0 : i32
    %dma_start3A_3 = tpu.memref_slice %arg3[%add3A, %dma_start3A] : memref<32x64xi32, #tpu.memory_space<hbm>> -> memref<1x64xi32, #tpu.memory_space<hbm>>
    %dma_start3A_4 = tpu.memref_squeeze %dma_start3A_3 : memref<1x64xi32, #tpu.memory_space<hbm>> -> memref<64xi32, #tpu.memory_space<hbm>>
    %dma_start3A_5 = arith.constant 0 : i32
    %dma_start3A_6 = tpu.memref_slice %arg3[%add3A, %dma_start3A_5] : memref<32x64xi32, #tpu.memory_space<hbm>> -> memref<1x64xi32, #tpu.memory_space<hbm>>
    %dma_start3A_7 = tpu.memref_squeeze %dma_start3A_6 : memref<1x64xi32, #tpu.memory_space<hbm>> -> memref<64xi32, #tpu.memory_space<hbm>>
    tpu.enqueue_dma source(%dma_start3A_7 : memref<64xi32, #tpu.memory_space<hbm>>) target(%arg7 : memref<64xi32, #tpu.memory_space<vmem>>) target_semaphore(%arg10 : memref<!tpu.dma_semaphore, #tpu.memory_space<semaphore_mem>>)
    %dma_start3A_8 = arith.constant 0 : i32
    %dma_start3A_9 = tpu.memref_slice %arg4[%add3A, %dma_start3A_8] : memref<32x64xi32, #tpu.memory_space<hbm>> -> memref<1x64xi32, #tpu.memory_space<hbm>>
    %dma_start3A_10 = tpu.memref_squeeze %dma_start3A_9 : memref<1x64xi32, #tpu.memory_space<hbm>> -> memref<64xi32, #tpu.memory_space<hbm>>
    %dma_start3A_11 = arith.constant 0 : i32
    %dma_start3A_12 = tpu.memref_slice %arg4[%add3A, %dma_start3A_11] : memref<32x64xi32, #tpu.memory_space<hbm>> -> memref<1x64xi32, #tpu.memory_space<hbm>>
    %dma_start3A_13 = tpu.memref_squeeze %dma_start3A_12 : memref<1x64xi32, #tpu.memory_space<hbm>> -> memref<64xi32, #tpu.memory_space<hbm>>
    tpu.enqueue_dma source(%dma_start3A_13 : memref<64xi32, #tpu.memory_space<hbm>>) target(%arg8 : memref<64xi32, #tpu.memory_space<vmem>>) target_semaphore(%arg10 : memref<!tpu.dma_semaphore, #tpu.memory_space<semaphore_mem>>)
    %dma_start3A_14 = arith.constant 0 : i32
    %dma_start3A_15 = tpu.memref_slice %arg2[%mul3A_2, %dma_start3A_14] : memref<2048x384xi32, #tpu.memory_space<hbm>> -> memref<64x384xi32, #tpu.memory_space<hbm>>
    %dma_start3A_16 = arith.constant 0 : i32
    %dma_start3A_17 = tpu.memref_slice %arg2[%mul3A_2, %dma_start3A_16] : memref<2048x384xi32, #tpu.memory_space<hbm>> -> memref<64x384xi32, #tpu.memory_space<hbm>>
    tpu.enqueue_dma source(%dma_start3A_17 : memref<64x384xi32, #tpu.memory_space<hbm>>) target(%arg6 : memref<64x384xi32, #tpu.memory_space<vmem>>) target_semaphore(%arg9 : memref<!tpu.dma_semaphore, #tpu.memory_space<semaphore_mem>>)
    %dma_wait3A = arith.constant 0 : i32
    %dma_wait3A_18 = tpu.memref_slice %arg3[%add3A, %dma_wait3A] : memref<32x64xi32, #tpu.memory_space<hbm>> -> memref<1x64xi32, #tpu.memory_space<hbm>>
    %dma_wait3A_19 = tpu.memref_squeeze %dma_wait3A_18 : memref<1x64xi32, #tpu.memory_space<hbm>> -> memref<64xi32, #tpu.memory_space<hbm>>
    %dma_wait3A_20 = arith.constant 0 : i32
    %dma_wait3A_21 = tpu.memref_slice %arg3[%add3A, %dma_wait3A_20] : memref<32x64xi32, #tpu.memory_space<hbm>> -> memref<1x64xi32, #tpu.memory_space<hbm>>
    %dma_wait3A_22 = tpu.memref_squeeze %dma_wait3A_21 : memref<1x64xi32, #tpu.memory_space<hbm>> -> memref<64xi32, #tpu.memory_space<hbm>>
    tpu.wait_dma2 semaphore(%arg10 : memref<!tpu.dma_semaphore, #tpu.memory_space<semaphore_mem>>) src(%dma_wait3A_22 : memref<64xi32, #tpu.memory_space<hbm>>) dst(%arg7 : memref<64xi32, #tpu.memory_space<vmem>>)
    %dma_wait3A_23 = arith.constant 0 : i32
    %dma_wait3A_24 = tpu.memref_slice %arg4[%add3A, %dma_wait3A_23] : memref<32x64xi32, #tpu.memory_space<hbm>> -> memref<1x64xi32, #tpu.memory_space<hbm>>
    %dma_wait3A_25 = tpu.memref_squeeze %dma_wait3A_24 : memref<1x64xi32, #tpu.memory_space<hbm>> -> memref<64xi32, #tpu.memory_space<hbm>>
    %dma_wait3A_26 = arith.constant 0 : i32
    %dma_wait3A_27 = tpu.memref_slice %arg4[%add3A, %dma_wait3A_26] : memref<32x64xi32, #tpu.memory_space<hbm>> -> memref<1x64xi32, #tpu.memory_space<hbm>>
    %dma_wait3A_28 = tpu.memref_squeeze %dma_wait3A_27 : memref<1x64xi32, #tpu.memory_space<hbm>> -> memref<64xi32, #tpu.memory_space<hbm>>
    tpu.wait_dma2 semaphore(%arg10 : memref<!tpu.dma_semaphore, #tpu.memory_space<semaphore_mem>>) src(%dma_wait3A_28 : memref<64xi32, #tpu.memory_space<hbm>>) dst(%arg8 : memref<64xi32, #tpu.memory_space<vmem>>)
    %dma_wait3A_29 = arith.constant 0 : i32
    %dma_wait3A_30 = tpu.memref_slice %arg2[%mul3A_2, %dma_wait3A_29] : memref<2048x384xi32, #tpu.memory_space<hbm>> -> memref<64x384xi32, #tpu.memory_space<hbm>>
    %dma_wait3A_31 = arith.constant 0 : i32
    %dma_wait3A_32 = tpu.memref_slice %arg2[%mul3A_2, %dma_wait3A_31] : memref<2048x384xi32, #tpu.memory_space<hbm>> -> memref<64x384xi32, #tpu.memory_space<hbm>>
    tpu.wait_dma2 semaphore(%arg9 : memref<!tpu.dma_semaphore, #tpu.memory_space<semaphore_mem>>) src(%dma_wait3A_32 : memref<64x384xi32, #tpu.memory_space<hbm>>) dst(%arg6 : memref<64x384xi32, #tpu.memory_space<vmem>>)
    %dma_start3A_33 = arith.constant 0 : i32
    %dma_start3A_34 = arith.constant 0 : i32
    %dma_start3A_35 = tpu.memref_slice %arg5[%dma_start3A_33, %dma_start3A_34] : memref<6272x384xi32, #tpu.memory_space<hbm>> -> memref<6272x384xi32, #tpu.memory_space<hbm>>
    tpu.enqueue_indirect_dma source(%arg6 : memref<64x384xi32, #tpu.memory_space<vmem>>) target(%dma_start3A_35 : memref<6272x384xi32, #tpu.memory_space<hbm>>) offsets(%arg7 : memref<64xi32, #tpu.memory_space<vmem>>) semaphore(%arg9 : memref<!tpu.dma_semaphore, #tpu.memory_space<semaphore_mem>>)
    %dma_start3A_36 = arith.constant 0 : i32
    %dma_start3A_37 = arith.constant 0 : i32
    %dma_start3A_38 = tpu.memref_slice %arg5[%dma_start3A_36, %dma_start3A_37] : memref<6272x384xi32, #tpu.memory_space<hbm>> -> memref<6272x384xi32, #tpu.memory_space<hbm>>
    tpu.enqueue_indirect_dma source(%arg6 : memref<64x384xi32, #tpu.memory_space<vmem>>) target(%dma_start3A_38 : memref<6272x384xi32, #tpu.memory_space<hbm>>) offsets(%arg8 : memref<64xi32, #tpu.memory_space<vmem>>) semaphore(%arg11 : memref<!tpu.dma_semaphore, #tpu.memory_space<semaphore_mem>>)
    %dma_wait3A_39 = arith.constant 0 : i32
    %dma_wait3A_40 = arith.constant 0 : i32
    %dma_wait3A_41 = tpu.memref_slice %arg5[%dma_wait3A_39, %dma_wait3A_40] : memref<6272x384xi32, #tpu.memory_space<hbm>> -> memref<6272x384xi32, #tpu.memory_space<hbm>>
    tpu.wait_indirect_dma semaphore(%arg9 : memref<!tpu.dma_semaphore, #tpu.memory_space<semaphore_mem>>) src(%arg6 : memref<64x384xi32, #tpu.memory_space<vmem>>) dst(%dma_wait3A_41 : memref<6272x384xi32, #tpu.memory_space<hbm>>)
    %dma_wait3A_42 = arith.constant 0 : i32
    %dma_wait3A_43 = arith.constant 0 : i32
    %dma_wait3A_44 = tpu.memref_slice %arg5[%dma_wait3A_42, %dma_wait3A_43] : memref<6272x384xi32, #tpu.memory_space<hbm>> -> memref<6272x384xi32, #tpu.memory_space<hbm>>
    tpu.wait_indirect_dma semaphore(%arg11 : memref<!tpu.dma_semaphore, #tpu.memory_space<semaphore_mem>>) src(%arg6 : memref<64x384xi32, #tpu.memory_space<vmem>>) dst(%dma_wait3A_44 : memref<6272x384xi32, #tpu.memory_space<hbm>>)
    return
  }
}

module attributes {stable_mosaic.version = 14 : i64} {
  func.func @_router_body(%arg0: i32, %arg1: memref<2048x768xf32, #tpu.memory_space<vmem>>, %arg2: memref<768x24xf32, #tpu.memory_space<vmem>>, %arg3: memref<1x24xf32, #tpu.memory_space<vmem>>, %arg4: memref<2048x2xf32, #tpu.memory_space<vmem>>, %arg5: memref<2048x1xf32, #tpu.memory_space<vmem>>, %arg6: memref<2048x1xi32, #tpu.memory_space<vmem>>, %arg7: memref<2048x1xi32, #tpu.memory_space<vmem>>, %arg8: memref<48x1xi32, #tpu.memory_space<vmem>>, %arg9: memref<1x1xi32, #tpu.memory_space<vmem>>, %arg10: memref<2048x384xi32, #tpu.memory_space<vmem>>, %arg11: memref<2048x16xf32, #tpu.memory_space<vmem>>, %arg12: memref<2048x1xi32, #tpu.memory_space<vmem>>, %arg13: memref<2048x1xi32, #tpu.memory_space<vmem>>) attributes {dimension_semantics = [#tpu.dimension_semantics<arbitrary>], iteration_bounds = array<i64: 1>, scalar_prefetch = 0 : i64, scratch_operands = 3 : i64, tpu.core_type = #tpu.core_type<tc>, window_params = [{pipeline_mode = #tpu.pipeline_mode<synchronous>, transform_indices = @transform_0, window_bounds = array<i64: 2048, 768>}, {pipeline_mode = #tpu.pipeline_mode<synchronous>, transform_indices = @transform_1, window_bounds = array<i64: 768, 24>}, {pipeline_mode = #tpu.pipeline_mode<synchronous>, transform_indices = @transform_2, window_bounds = array<i64: 1, 24>}, {pipeline_mode = #tpu.pipeline_mode<synchronous>, transform_indices = @transform_3, window_bounds = array<i64: 2048, 2>}, {pipeline_mode = #tpu.pipeline_mode<synchronous>, transform_indices = @transform_4, window_bounds = array<i64: 2048, 1>}, {pipeline_mode = #tpu.pipeline_mode<synchronous>, transform_indices = @transform_5, window_bounds = array<i64: 2048, 1>}, {pipeline_mode = #tpu.pipeline_mode<synchronous>, transform_indices = @transform_6, window_bounds = array<i64: 2048, 1>}, {pipeline_mode = #tpu.pipeline_mode<synchronous>, transform_indices = @transform_7, window_bounds = array<i64: 48, 1>}, {pipeline_mode = #tpu.pipeline_mode<synchronous>, transform_indices = @transform_8, window_bounds = array<i64: 1, 1>}, {pipeline_mode = #tpu.pipeline_mode<synchronous>, transform_indices = @transform_9, window_bounds = array<i64: 2048, 384>}]} {
    %get3A = arith.constant 0 : index
    %get3A_0 = arith.constant 0 : index
    %get3A_1 = vector.load %arg1[%get3A, %get3A_0] : memref<2048x768xf32, #tpu.memory_space<vmem>>, vector<2048x768xf32>
    %slice3A = vector.extract_strided_slice %get3A_1 {offsets = [0, 0], sizes = [2048, 384], strides = [1, 1]} : vector<2048x768xf32> to vector<2048x384xf32>
    %convert_element_type3A = arith.truncf %slice3A : vector<2048x384xf32> to vector<2048x384xbf16>
    %bitcast_convert_type3A = tpu.bitcast %convert_element_type3A : vector<2048x384xbf16> -> vector<2048x384xi16>
    %convert_element_type3A_2 = arith.extsi %bitcast_convert_type3A : vector<2048x384xi16> to vector<2048x384xi32>
    %slice3A_3 = vector.extract_strided_slice %get3A_1 {offsets = [0, 384], sizes = [2048, 384], strides = [1, 1]} : vector<2048x768xf32> to vector<2048x384xf32>
    %convert_element_type3A_4 = arith.truncf %slice3A_3 : vector<2048x384xf32> to vector<2048x384xbf16>
    %bitcast_convert_type3A_5 = tpu.bitcast %convert_element_type3A_4 : vector<2048x384xbf16> -> vector<2048x384xi16>
    %convert_element_type3A_6 = arith.extsi %bitcast_convert_type3A_5 : vector<2048x384xi16> to vector<2048x384xi32>
    %and3A = arith.constant 65535 : i32
    %and3A_7 = vector.broadcast %and3A : i32 to vector<2048x384xi32>
    %and3A_8 = arith.andi %convert_element_type3A_2, %and3A_7 : vector<2048x384xi32>
    %shift_left3A = arith.constant 16 : i32
    %shift_left3A_9 = vector.broadcast %shift_left3A : i32 to vector<2048x384xi32>
    %shift_left3A_10 = arith.shli %convert_element_type3A_6, %shift_left3A_9 : vector<2048x384xi32>
    %or3A = arith.ori %and3A_8, %shift_left3A_10 : vector<2048x384xi32>
    %swap3A = arith.constant 0 : index
    %swap3A_11 = arith.constant 0 : index
    %swap3A_12 = vector.load %arg10[%swap3A, %swap3A_11] : memref<2048x384xi32, #tpu.memory_space<vmem>>, vector<2048x384xi32>
    tpu.vector_store %arg10[%swap3A, %swap3A_11], %or3A {strides = array<i32>} : memref<2048x384xi32, #tpu.memory_space<vmem>>, vector<2048x384xi32>,
    %get3A_13 = arith.constant 0 : index
    %get3A_14 = arith.constant 0 : index
    %get3A_15 = vector.load %arg2[%get3A_13, %get3A_14] : memref<768x24xf32, #tpu.memory_space<vmem>>, vector<768x24xf32>
    %dot_general3A = arith.constant dense<0.000000e+00> : vector<2048x24xf32>
    %dot_general3A_16 = tpu.matmul %get3A_1, %get3A_15, %dot_general3A {dimension_numbers = #tpu.dot_dimension_numbers<[1], [0], [0], [1], [0, 0, 1, 1], [], []>, transpose_lhs_hint = false} : vector<2048x768xf32>, vector<768x24xf32>, vector<2048x24xf32> -> vector<2048x24xf32>
    %logistic3A = arith.negf %dot_general3A_16 : vector<2048x24xf32>
    %logistic3A_17 = math.exp %logistic3A : vector<2048x24xf32>
    %logistic3A_18 = arith.constant 1.000000e+00 : f32
    %logistic3A_19 = vector.broadcast %logistic3A_18 : f32 to vector<2048x24xf32>
    %logistic3A_20 = arith.addf %logistic3A_19, %logistic3A_17 : vector<2048x24xf32>
    %logistic3A_21 = arith.divf %logistic3A_19, %logistic3A_20 : vector<2048x24xf32>
    %get3A_22 = arith.constant 0 : index
    %get3A_23 = arith.constant 0 : index
    %get3A_24 = vector.load %arg3[%get3A_22, %get3A_23] : memref<1x24xf32, #tpu.memory_space<vmem>>, vector<1x24xf32>
    %add3A = vector.broadcast %get3A_24 : vector<1x24xf32> to vector<2048x24xf32>
    %add3A_25 = arith.addf %logistic3A_21, %add3A : vector<2048x24xf32>
    %iota3A = tpu.iota {dimensions = array<i32: 1>} : vector<2048x24xi32>
    %reduce_max3A = arith.constant dense<0xFF800000> : vector<2048xf32>
    %reduce_max3A_26 = vector.multi_reduction <maximumf>, %add3A_25, %reduce_max3A [1] : vector<2048x24xf32> to vector<2048xf32>
    %broadcast_in_dim3A = vector.shape_cast %reduce_max3A_26 : vector<2048xf32> to vector<2048x1xf32>
    %eq3A = vector.broadcast %broadcast_in_dim3A : vector<2048x1xf32> to vector<2048x24xf32>
    %eq3A_27 = arith.cmpf oeq, %add3A_25, %eq3A : vector<2048x24xf32>
    %jit3A = arith.constant 24 : i32
    %broadcast_in_dim3A_28 = vector.broadcast %jit3A : i32 to vector<2048x24xi32>
    %select_n3A = arith.select %eq3A_27, %iota3A, %broadcast_in_dim3A_28 : vector<2048x24xi1>, vector<2048x24xi32>
    %reduce_min3A = arith.constant dense<2147483647> : vector<2048xi32>
    %reduce_min3A_29 = vector.multi_reduction <minsi>, %select_n3A, %reduce_min3A [1] : vector<2048x24xi32> to vector<2048xi32>
    %broadcast_in_dim3A_30 = vector.shape_cast %reduce_min3A_29 : vector<2048xi32> to vector<2048x1xi32>
    %eq3A_31 = vector.broadcast %broadcast_in_dim3A_30 : vector<2048x1xi32> to vector<2048x24xi32>
    %eq3A_32 = arith.cmpi eq, %iota3A, %eq3A_31 : vector<2048x24xi32>
    %jit3A_33 = arith.constant -1.000000e+30 : f32
    %broadcast_in_dim3A_34 = vector.broadcast %jit3A_33 : f32 to vector<2048x24xf32>
    %select_n3A_35 = arith.select %eq3A_32, %broadcast_in_dim3A_34, %add3A_25 : vector<2048x24xi1>, vector<2048x24xf32>
    %reduce_max3A_36 = arith.constant dense<0xFF800000> : vector<2048xf32>
    %reduce_max3A_37 = vector.multi_reduction <maximumf>, %select_n3A_35, %reduce_max3A_36 [1] : vector<2048x24xf32> to vector<2048xf32>
    %broadcast_in_dim3A_38 = vector.shape_cast %reduce_max3A_37 : vector<2048xf32> to vector<2048x1xf32>
    %eq3A_39 = vector.broadcast %broadcast_in_dim3A_38 : vector<2048x1xf32> to vector<2048x24xf32>
    %eq3A_40 = arith.cmpf oeq, %select_n3A_35, %eq3A_39 : vector<2048x24xf32>
    %jit3A_41 = arith.constant 24 : i32
    %broadcast_in_dim3A_42 = vector.broadcast %jit3A_41 : i32 to vector<2048x24xi32>
    %select_n3A_43 = arith.select %eq3A_40, %iota3A, %broadcast_in_dim3A_42 : vector<2048x24xi1>, vector<2048x24xi32>
    %reduce_min3A_44 = arith.constant dense<2147483647> : vector<2048xi32>
    %reduce_min3A_45 = vector.multi_reduction <minsi>, %select_n3A_43, %reduce_min3A_44 [1] : vector<2048x24xi32> to vector<2048xi32>
    %broadcast_in_dim3A_46 = vector.shape_cast %reduce_min3A_45 : vector<2048xi32> to vector<2048x1xi32>
    %eq3A_47 = vector.broadcast %broadcast_in_dim3A_30 : vector<2048x1xi32> to vector<2048x24xi32>
    %eq3A_48 = arith.cmpi eq, %iota3A, %eq3A_47 : vector<2048x24xi32>
    %jit3A_49 = arith.constant 0.000000e+00 : f32
    %broadcast_in_dim3A_50 = vector.broadcast %jit3A_49 : f32 to vector<2048x24xf32>
    %select_n3A_51 = arith.select %eq3A_48, %logistic3A_21, %broadcast_in_dim3A_50 : vector<2048x24xi1>, vector<2048x24xf32>
    %reduce_sum3A = arith.constant dense<0.000000e+00> : vector<2048xf32>
    %reduce_sum3A_52 = vector.multi_reduction <add>, %select_n3A_51, %reduce_sum3A [1] : vector<2048x24xf32> to vector<2048xf32>
    %broadcast_in_dim3A_53 = vector.shape_cast %reduce_sum3A_52 : vector<2048xf32> to vector<2048x1xf32>
    %eq3A_54 = vector.broadcast %broadcast_in_dim3A_46 : vector<2048x1xi32> to vector<2048x24xi32>
    %eq3A_55 = arith.cmpi eq, %iota3A, %eq3A_54 : vector<2048x24xi32>
    %jit3A_56 = arith.constant 0.000000e+00 : f32
    %broadcast_in_dim3A_57 = vector.broadcast %jit3A_56 : f32 to vector<2048x24xf32>
    %select_n3A_58 = arith.select %eq3A_55, %logistic3A_21, %broadcast_in_dim3A_57 : vector<2048x24xi1>, vector<2048x24xf32>
    %reduce_sum3A_59 = arith.constant dense<0.000000e+00> : vector<2048xf32>
    %reduce_sum3A_60 = vector.multi_reduction <add>, %select_n3A_58, %reduce_sum3A_59 [1] : vector<2048x24xf32> to vector<2048xf32>
    %broadcast_in_dim3A_61 = vector.shape_cast %reduce_sum3A_60 : vector<2048xf32> to vector<2048x1xf32>
    %add3A_62 = arith.addf %broadcast_in_dim3A_53, %broadcast_in_dim3A_61 : vector<2048x1xf32>
    %add3A_63 = arith.constant 9.99999968E-21 : f32
    %add3A_64 = vector.broadcast %add3A_63 : f32 to vector<2048x1xf32>
    %add3A_65 = arith.addf %add3A_62, %add3A_64 : vector<2048x1xf32>
    %div3A = arith.divf %broadcast_in_dim3A_53, %add3A_65 : vector<2048x1xf32>
    %div3A_66 = arith.divf %broadcast_in_dim3A_61, %add3A_65 : vector<2048x1xf32>
    %ge3A = arith.constant 16 : i32
    %ge3A_67 = vector.broadcast %ge3A : i32 to vector<2048x1xi32>
    %ge3A_68 = arith.cmpi sge, %broadcast_in_dim3A_30, %ge3A_67 : vector<2048x1xi32>
    %ge3A_69 = arith.constant 16 : i32
    %ge3A_70 = vector.broadcast %ge3A_69 : i32 to vector<2048x1xi32>
    %ge3A_71 = arith.cmpi sge, %broadcast_in_dim3A_46, %ge3A_70 : vector<2048x1xi32>
    %jit3A_72 = arith.constant 0.000000e+00 : f32
    %broadcast_in_dim3A_73 = vector.broadcast %jit3A_72 : f32 to vector<2048x1xf32>
    %select_n3A_74 = arith.select %ge3A_68, %div3A, %broadcast_in_dim3A_73 : vector<2048x1xi1>, vector<2048x1xf32>
    %jit3A_75 = arith.constant 0.000000e+00 : f32
    %broadcast_in_dim3A_76 = vector.broadcast %jit3A_75 : f32 to vector<2048x1xf32>
    %select_n3A_77 = arith.select %ge3A_71, %div3A_66, %broadcast_in_dim3A_76 : vector<2048x1xi1>, vector<2048x1xf32>
    %add3A_78 = arith.addf %select_n3A_74, %select_n3A_77 : vector<2048x1xf32>
    %jit3A_79 = arith.constant 0.000000e+00 : f32
    %broadcast_in_dim3A_80 = vector.broadcast %jit3A_79 : f32 to vector<2048x1xf32>
    %select_n3A_81 = arith.select %ge3A_68, %broadcast_in_dim3A_80, %div3A : vector<2048x1xi1>, vector<2048x1xf32>
    %jit3A_82 = arith.constant 0.000000e+00 : f32
    %broadcast_in_dim3A_83 = vector.broadcast %jit3A_82 : f32 to vector<2048x1xf32>
    %select_n3A_84 = arith.select %ge3A_71, %broadcast_in_dim3A_83, %div3A_66 : vector<2048x1xi1>, vector<2048x1xf32>
    %jit3A_85 = arith.constant 16 : i32
    %broadcast_in_dim3A_86 = vector.broadcast %jit3A_85 : i32 to vector<2048x1xi32>
    %select_n3A_87 = arith.select %ge3A_68, %broadcast_in_dim3A_86, %broadcast_in_dim3A_30 : vector<2048x1xi1>, vector<2048x1xi32>
    %jit3A_88 = arith.constant 16 : i32
    %broadcast_in_dim3A_89 = vector.broadcast %jit3A_88 : i32 to vector<2048x1xi32>
    %select_n3A_90 = arith.select %ge3A_71, %broadcast_in_dim3A_89, %broadcast_in_dim3A_46 : vector<2048x1xi1>, vector<2048x1xi32>
    %mul3A = arith.constant 2.500000e+00 : f32
    %mul3A_91 = vector.broadcast %mul3A : f32 to vector<2048x1xf32>
    %mul3A_92 = arith.mulf %select_n3A_81, %mul3A_91 : vector<2048x1xf32>
    %swap3A_93 = arith.constant 0 : index
    %swap3A_94 = arith.constant 0 : index
    %swap3A_95 = vector.load %arg4[%swap3A_93, %swap3A_94] : memref<2048x2xf32, #tpu.memory_space<vmem>>, vector<2048x1xf32>
    tpu.vector_store %arg4[%swap3A_93, %swap3A_94], %mul3A_92 {strides = array<i32>} : memref<2048x2xf32, #tpu.memory_space<vmem>>, vector<2048x1xf32>,
    %mul3A_96 = arith.constant 2.500000e+00 : f32
    %mul3A_97 = vector.broadcast %mul3A_96 : f32 to vector<2048x1xf32>
    %mul3A_98 = arith.mulf %select_n3A_84, %mul3A_97 : vector<2048x1xf32>
    %swap3A_99 = arith.constant 0 : index
    %swap3A_100 = arith.constant 1 : index
    %swap3A_101 = vector.load %arg4[%swap3A_99, %swap3A_100] : memref<2048x2xf32, #tpu.memory_space<vmem>>, vector<2048x1xf32>
    tpu.vector_store %arg4[%swap3A_99, %swap3A_100], %mul3A_98 {strides = array<i32>} : memref<2048x2xf32, #tpu.memory_space<vmem>>, vector<2048x1xf32>,
    %swap3A_102 = arith.constant 0 : index
    %swap3A_103 = arith.constant 0 : index
    %swap3A_104 = vector.load %arg5[%swap3A_102, %swap3A_103] : memref<2048x1xf32, #tpu.memory_space<vmem>>, vector<2048x1xf32>
    tpu.vector_store %arg5[%swap3A_102, %swap3A_103], %add3A_78 {strides = array<i32>} : memref<2048x1xf32, #tpu.memory_space<vmem>>, vector<2048x1xf32>,
    %iota3A_105 = tpu.iota {dimensions = array<i32: 1>} : vector<2048x16xi32>
    %eq3A_106 = vector.broadcast %select_n3A_87 : vector<2048x1xi32> to vector<2048x16xi32>
    %eq3A_107 = arith.cmpi eq, %eq3A_106, %iota3A_105 : vector<2048x16xi32>
    %convert_element_type3A_108 = arith.extui %eq3A_107 : vector<2048x16xi1> to vector<2048x16xi32>
    %convert_element_type3A_109 = arith.sitofp %convert_element_type3A_108 : vector<2048x16xi32> to vector<2048x16xf32>
    %eq3A_110 = vector.broadcast %select_n3A_90 : vector<2048x1xi32> to vector<2048x16xi32>
    %eq3A_111 = arith.cmpi eq, %eq3A_110, %iota3A_105 : vector<2048x16xi32>
    %convert_element_type3A_112 = arith.extui %eq3A_111 : vector<2048x16xi1> to vector<2048x16xi32>
    %convert_element_type3A_113 = arith.sitofp %convert_element_type3A_112 : vector<2048x16xi32> to vector<2048x16xf32>
    %add3A_114 = arith.addf %convert_element_type3A_109, %convert_element_type3A_113 : vector<2048x16xf32>
    %swap3A_115 = arith.constant 0 : index
    %swap3A_116 = arith.constant 0 : index
    %swap3A_117 = vector.load %arg11[%swap3A_115, %swap3A_116] : memref<2048x16xf32, #tpu.memory_space<vmem>>, vector<2048x16xf32>
    tpu.vector_store %arg11[%swap3A_115, %swap3A_116], %add3A_114 {strides = array<i32>} : memref<2048x16xf32, #tpu.memory_space<vmem>>, vector<2048x16xf32>,
    %swap3A_118 = arith.constant 0 : index
    %swap3A_119 = arith.constant 0 : index
    %swap3A_120 = vector.load %arg12[%swap3A_118, %swap3A_119] : memref<2048x1xi32, #tpu.memory_space<vmem>>, vector<2048x1xi32>
    tpu.vector_store %arg12[%swap3A_118, %swap3A_119], %select_n3A_87 {strides = array<i32>} : memref<2048x1xi32, #tpu.memory_space<vmem>>, vector<2048x1xi32>,
    %swap3A_121 = arith.constant 0 : index
    %swap3A_122 = arith.constant 0 : index
    %swap3A_123 = vector.load %arg13[%swap3A_121, %swap3A_122] : memref<2048x1xi32, #tpu.memory_space<vmem>>, vector<2048x1xi32>
    tpu.vector_store %arg13[%swap3A_121, %swap3A_122], %select_n3A_90 {strides = array<i32>} : memref<2048x1xi32, #tpu.memory_space<vmem>>, vector<2048x1xi32>,
    %reduce_sum3A_124 = arith.constant dense<0.000000e+00> : vector<16xf32>
    %reduce_sum3A_125 = vector.multi_reduction <add>, %add3A_114, %reduce_sum3A_124 [0] : vector<2048x16xf32> to vector<16xf32>
    %broadcast_in_dim3A_126 = vector.shape_cast %reduce_sum3A_125 : vector<16xf32> to vector<1x16xf32>
    %add3A_127 = arith.constant 1.270000e+02 : f32
    %add3A_128 = vector.broadcast %add3A_127 : f32 to vector<1x16xf32>
    %add3A_129 = arith.addf %broadcast_in_dim3A_126, %add3A_128 : vector<1x16xf32>
    %mul3A_130 = arith.constant 7.812500e-03 : f32
    %mul3A_131 = vector.broadcast %mul3A_130 : f32 to vector<1x16xf32>
    %mul3A_132 = arith.mulf %add3A_129, %mul3A_131 : vector<1x16xf32>
    %floor3A = math.floor %mul3A_132 : vector<1x16xf32>
    %iota3A_133 = tpu.iota {dimensions = array<i32: 0>} : vector<16x16xi32>
    %iota3A_134 = tpu.iota {dimensions = array<i32: 1>} : vector<16x16xi32>
    %lt3A = arith.cmpi slt, %iota3A_133, %iota3A_134 : vector<16x16xi32>
    %convert_element_type3A_135 = arith.extui %lt3A : vector<16x16xi1> to vector<16x16xi32>
    %convert_element_type3A_136 = arith.sitofp %convert_element_type3A_135 : vector<16x16xi32> to vector<16x16xf32>
    %dot_general3A_137 = arith.constant dense<0.000000e+00> : vector<1x16xf32>
    %dot_general3A_138 = tpu.matmul %floor3A, %convert_element_type3A_136, %dot_general3A_137 {dimension_numbers = #tpu.dot_dimension_numbers<[1], [0], [0], [1], [0, 0, 1, 1], [], []>, transpose_lhs_hint = false} : vector<1x16xf32>, vector<16x16xf32>, vector<1x16xf32> -> vector<1x16xf32>
    %add3A_139 = arith.addf %dot_general3A_138, %floor3A : vector<1x16xf32>
    %mul3A_140 = arith.constant 1.280000e+02 : f32
    %mul3A_141 = vector.broadcast %mul3A_140 : f32 to vector<1x16xf32>
    %mul3A_142 = arith.mulf %dot_general3A_138, %mul3A_141 : vector<1x16xf32>
    %iota3A_143 = tpu.iota {dimensions = array<i32: 0>} : vector<48x16xi32>
    %convert_element_type3A_144 = arith.sitofp %iota3A_143 : vector<48x16xi32> to vector<48x16xf32>
    %ge3A_145 = vector.broadcast %add3A_139 : vector<1x16xf32> to vector<48x16xf32>
    %ge3A_146 = arith.cmpf oge, %convert_element_type3A_144, %ge3A_145 : vector<48x16xf32>
    %convert_element_type3A_147 = arith.extui %ge3A_146 : vector<48x16xi1> to vector<48x16xi32>
    %convert_element_type3A_148 = arith.sitofp %convert_element_type3A_147 : vector<48x16xi32> to vector<48x16xf32>
    %reduce_sum3A_149 = arith.constant dense<0.000000e+00> : vector<48xf32>
    %reduce_sum3A_150 = vector.multi_reduction <add>, %convert_element_type3A_148, %reduce_sum3A_149 [1] : vector<48x16xf32> to vector<48xf32>
    %broadcast_in_dim3A_151 = vector.shape_cast %reduce_sum3A_150 : vector<48xf32> to vector<48x1xf32>
    %min3A = arith.constant 1.500000e+01 : f32
    %min3A_152 = vector.broadcast %min3A : f32 to vector<48x1xf32>
    %min3A_153 = arith.minimumf %broadcast_in_dim3A_151, %min3A_152 : vector<48x1xf32>
    %convert_element_type3A_154 = arith.fptosi %min3A_153 : vector<48x1xf32> to vector<48x1xi32>
    %swap3A_155 = arith.constant 0 : index
    %swap3A_156 = arith.constant 0 : index
    %swap3A_157 = vector.load %arg8[%swap3A_155, %swap3A_156] : memref<48x1xi32, #tpu.memory_space<vmem>>, vector<48x1xi32>
    tpu.vector_store %arg8[%swap3A_155, %swap3A_156], %convert_element_type3A_154 {strides = array<i32>} : memref<48x1xi32, #tpu.memory_space<vmem>>, vector<48x1xi32>,
    %reduce_sum3A_158 = arith.constant dense<0.000000e+00> : vector<1xf32>
    %reduce_sum3A_159 = vector.multi_reduction <add>, %floor3A, %reduce_sum3A_158 [1] : vector<1x16xf32> to vector<1xf32>
    %broadcast_in_dim3A_160 = vector.shape_cast %reduce_sum3A_159 : vector<1xf32> to vector<1x1xf32>
    %convert_element_type3A_161 = arith.fptosi %broadcast_in_dim3A_160 : vector<1x1xf32> to vector<1x1xi32>
    %swap3A_162 = arith.constant 0 : index
    %swap3A_163 = arith.constant 0 : index
    %swap3A_164 = vector.load %arg9[%swap3A_162, %swap3A_163] : memref<1x1xi32, #tpu.memory_space<vmem>>, vector<1x1xi32>
    tpu.vector_store %arg9[%swap3A_162, %swap3A_163], %convert_element_type3A_161 {strides = array<i32>} : memref<1x1xi32, #tpu.memory_space<vmem>>, vector<1x1xi32>,
    %iota3A_165 = tpu.iota {dimensions = array<i32: 0>} : vector<256x256xi32>
    %iota3A_166 = tpu.iota {dimensions = array<i32: 1>} : vector<256x256xi32>
    %lt3A_167 = arith.cmpi slt, %iota3A_166, %iota3A_165 : vector<256x256xi32>
    %convert_element_type3A_168 = arith.extui %lt3A_167 : vector<256x256xi1> to vector<256x256xi32>
    %convert_element_type3A_169 = arith.sitofp %convert_element_type3A_168 : vector<256x256xi32> to vector<256x256xf32>
    %broadcast_in_dim3A_170 = arith.constant 0.000000e+00 : f32
    %broadcast_in_dim3A_171 = vector.broadcast %broadcast_in_dim3A_170 : f32 to vector<1x16xf32>
    %scan3A = arith.constant 0 : i32
    %scan3A_172 = arith.constant 8 : i32
    %scan3A_173 = arith.addi %scan3A, %scan3A_172 : i32
    %scan3A_174 = arith.constant 1 : i32
    %scan3A_175 = scf.for %scan3A_177 = %scan3A to %scan3A_173 step %scan3A_174 iter_args(%scan3A_178 = %broadcast_in_dim3A_171) -> (vector<1x16xf32>)  : i32 {
      %mul3A_179 = arith.constant 256 : i32
      %mul3A_180 = arith.muli %scan3A_177, %mul3A_179 : i32
      %get3A_181 = arith.index_cast %mul3A_180 : i32 to index
      %get3A_182 = arith.constant 0 : index
      %get3A_183 = vector.load %arg11[%get3A_181, %get3A_182] : memref<2048x16xf32, #tpu.memory_space<vmem>>, vector<256x16xf32>
      %dot_general3A_184 = arith.constant dense<0.000000e+00> : vector<256x16xf32>
      %dot_general3A_185 = tpu.matmul %convert_element_type3A_169, %get3A_183, %dot_general3A_184 {dimension_numbers = #tpu.dot_dimension_numbers<[1], [0], [0], [1], [0, 0, 1, 1], [], []>, transpose_lhs_hint = false} : vector<256x256xf32>, vector<256x16xf32>, vector<256x16xf32> -> vector<256x16xf32>
      %add3A_186 = vector.broadcast %scan3A_178 : vector<1x16xf32> to vector<256x16xf32>
      %add3A_187 = arith.addf %dot_general3A_185, %add3A_186 : vector<256x16xf32>
      %add3A_188 = vector.broadcast %mul3A_142 : vector<1x16xf32> to vector<256x16xf32>
      %add3A_189 = arith.addf %add3A_188, %add3A_187 : vector<256x16xf32>
      %mul3A_190 = arith.constant 256 : i32
      %mul3A_191 = arith.muli %scan3A_177, %mul3A_190 : i32
      %get3A_192 = arith.index_cast %mul3A_191 : i32 to index
      %get3A_193 = arith.constant 0 : index
      %get3A_194 = vector.load %arg12[%get3A_192, %get3A_193] : memref<2048x1xi32, #tpu.memory_space<vmem>>, vector<256x1xi32>
      %mul3A_195 = arith.constant 256 : i32
      %mul3A_196 = arith.muli %scan3A_177, %mul3A_195 : i32
      %get3A_197 = arith.index_cast %mul3A_196 : i32 to index
      %get3A_198 = arith.constant 0 : index
      %get3A_199 = vector.load %arg13[%get3A_197, %get3A_198] : memref<2048x1xi32, #tpu.memory_space<vmem>>, vector<256x1xi32>
      %iota3A_200 = tpu.iota {dimensions = array<i32: 1>} : vector<256x16xi32>
      %eq3A_201 = vector.broadcast %get3A_194 : vector<256x1xi32> to vector<256x16xi32>
      %eq3A_202 = arith.cmpi eq, %eq3A_201, %iota3A_200 : vector<256x16xi32>
      %convert_element_type3A_203 = arith.extui %eq3A_202 : vector<256x16xi1> to vector<256x16xi32>
      %convert_element_type3A_204 = arith.sitofp %convert_element_type3A_203 : vector<256x16xi32> to vector<256x16xf32>
      %eq3A_205 = vector.broadcast %get3A_194 : vector<256x1xi32> to vector<256x16xi32>
      %eq3A_206 = arith.cmpi eq, %eq3A_205, %iota3A_200 : vector<256x16xi32>
      %jit3A_207 = arith.constant 0.000000e+00 : f32
      %broadcast_in_dim3A_208 = vector.broadcast %jit3A_207 : f32 to vector<256x16xf32>
      %select_n3A_209 = arith.select %eq3A_206, %add3A_189, %broadcast_in_dim3A_208 : vector<256x16xi1>, vector<256x16xf32>
      %reduce_sum3A_210 = arith.constant dense<0.000000e+00> : vector<256xf32>
      %reduce_sum3A_211 = vector.multi_reduction <add>, %select_n3A_209, %reduce_sum3A_210 [1] : vector<256x16xf32> to vector<256xf32>
      %broadcast_in_dim3A_212 = vector.shape_cast %reduce_sum3A_211 : vector<256xf32> to vector<256x1xf32>
      %eq3A_213 = vector.broadcast %get3A_199 : vector<256x1xi32> to vector<256x16xi32>
      %eq3A_214 = arith.cmpi eq, %eq3A_213, %iota3A_200 : vector<256x16xi32>
      %add3A_215 = arith.addf %add3A_189, %convert_element_type3A_204 : vector<256x16xf32>
      %jit3A_216 = arith.constant 0.000000e+00 : f32
      %broadcast_in_dim3A_217 = vector.broadcast %jit3A_216 : f32 to vector<256x16xf32>
      %select_n3A_218 = arith.select %eq3A_214, %add3A_215, %broadcast_in_dim3A_217 : vector<256x16xi1>, vector<256x16xf32>
      %reduce_sum3A_219 = arith.constant dense<0.000000e+00> : vector<256xf32>
      %reduce_sum3A_220 = vector.multi_reduction <add>, %select_n3A_218, %reduce_sum3A_219 [1] : vector<256x16xf32> to vector<256xf32>
      %broadcast_in_dim3A_221 = vector.shape_cast %reduce_sum3A_220 : vector<256xf32> to vector<256x1xf32>
      %iota3A_222 = tpu.iota {dimensions = array<i32: 0>} : vector<256x1xi32>
      %mul3A_223 = arith.constant 256 : i32
      %mul3A_224 = arith.muli %scan3A_177, %mul3A_223 : i32
      %add3A_225 = vector.broadcast %mul3A_224 : i32 to vector<256x1xi32>
      %add3A_226 = arith.addi %iota3A_222, %add3A_225 : vector<256x1xi32>
      %shift_right_logical3A = arith.constant 6 : i32
      %shift_right_logical3A_227 = vector.broadcast %shift_right_logical3A : i32 to vector<256x1xi32>
      %shift_right_logical3A_228 = arith.shrui %add3A_226, %shift_right_logical3A_227 : vector<256x1xi32>
      %mul3A_229 = arith.constant 2 : i32
      %mul3A_230 = vector.broadcast %mul3A_229 : i32 to vector<256x1xi32>
      %mul3A_231 = arith.muli %mul3A_230, %shift_right_logical3A_228 : vector<256x1xi32>
      %add3A_232 = arith.constant 6144 : i32
      %add3A_233 = vector.broadcast %add3A_232 : i32 to vector<256x1xi32>
      %add3A_234 = arith.addi %add3A_233, %mul3A_231 : vector<256x1xi32>
      %add3A_235 = arith.constant 1 : i32
      %add3A_236 = vector.broadcast %add3A_235 : i32 to vector<256x1xi32>
      %add3A_237 = arith.addi %add3A_234, %add3A_236 : vector<256x1xi32>
      %eq3A_238 = arith.constant 16 : i32
      %eq3A_239 = vector.broadcast %eq3A_238 : i32 to vector<256x1xi32>
      %eq3A_240 = arith.cmpi eq, %get3A_194, %eq3A_239 : vector<256x1xi32>
      %convert_element_type3A_241 = arith.fptosi %broadcast_in_dim3A_212 : vector<256x1xf32> to vector<256x1xi32>
      %select_n3A_242 = arith.select %eq3A_240, %add3A_234, %convert_element_type3A_241 : vector<256x1xi1>, vector<256x1xi32>
      %eq3A_243 = arith.constant 16 : i32
      %eq3A_244 = vector.broadcast %eq3A_243 : i32 to vector<256x1xi32>
      %eq3A_245 = arith.cmpi eq, %get3A_199, %eq3A_244 : vector<256x1xi32>
      %convert_element_type3A_246 = arith.fptosi %broadcast_in_dim3A_221 : vector<256x1xf32> to vector<256x1xi32>
      %select_n3A_247 = arith.select %eq3A_245, %add3A_237, %convert_element_type3A_246 : vector<256x1xi1>, vector<256x1xi32>
      %mul3A_248 = arith.constant 256 : i32
      %mul3A_249 = arith.muli %scan3A_177, %mul3A_248 : i32
      %swap3A_250 = arith.index_cast %mul3A_249 : i32 to index
      %swap3A_251 = arith.constant 0 : index
      %swap3A_252 = vector.load %arg6[%swap3A_250, %swap3A_251] : memref<2048x1xi32, #tpu.memory_space<vmem>>, vector<256x1xi32>
      tpu.vector_store %arg6[%swap3A_250, %swap3A_251], %select_n3A_242 {strides = array<i32>} : memref<2048x1xi32, #tpu.memory_space<vmem>>, vector<256x1xi32>,
      %mul3A_253 = arith.constant 256 : i32
      %mul3A_254 = arith.muli %scan3A_177, %mul3A_253 : i32
      %swap3A_255 = arith.index_cast %mul3A_254 : i32 to index
      %swap3A_256 = arith.constant 0 : index
      %swap3A_257 = vector.load %arg7[%swap3A_255, %swap3A_256] : memref<2048x1xi32, #tpu.memory_space<vmem>>, vector<256x1xi32>
      tpu.vector_store %arg7[%swap3A_255, %swap3A_256], %select_n3A_247 {strides = array<i32>} : memref<2048x1xi32, #tpu.memory_space<vmem>>, vector<256x1xi32>,
      %reduce_sum3A_258 = arith.constant dense<0.000000e+00> : vector<16xf32>
      %reduce_sum3A_259 = vector.multi_reduction <add>, %get3A_183, %reduce_sum3A_258 [0] : vector<256x16xf32> to vector<16xf32>
      %broadcast_in_dim3A_260 = vector.shape_cast %reduce_sum3A_259 : vector<16xf32> to vector<1x16xf32>
      %add3A_261 = arith.addf %scan3A_178, %broadcast_in_dim3A_260 : vector<1x16xf32>
      scf.yield %add3A_261 : vector<1x16xf32>
    }
    %scan3A_176 = arith.constant 8 : i32
    return
  }
  func.func @transform_0(%arg0: i32) -> (i32, i32) {
    %c0_i32 = arith.constant 0 : i32
    %c0_i32_0 = arith.constant 0 : i32
    %c0_i32_1 = arith.constant 0 : i32
    return %c0_i32, %c0_i32_0 : i32, i32
  }
  func.func @transform_1(%arg0: i32) -> (i32, i32) {
    %c0_i32 = arith.constant 0 : i32
    %c0_i32_0 = arith.constant 0 : i32
    %c0_i32_1 = arith.constant 0 : i32
    return %c0_i32, %c0_i32_0 : i32, i32
  }
  func.func @transform_2(%arg0: i32) -> (i32, i32) {
    %c0_i32 = arith.constant 0 : i32
    %c0_i32_0 = arith.constant 0 : i32
    %c0_i32_1 = arith.constant 0 : i32
    return %c0_i32, %c0_i32_0 : i32, i32
  }
  func.func @transform_3(%arg0: i32) -> (i32, i32) {
    %c0_i32 = arith.constant 0 : i32
    %c0_i32_0 = arith.constant 0 : i32
    %c0_i32_1 = arith.constant 0 : i32
    return %c0_i32, %c0_i32_0 : i32, i32
  }
  func.func @transform_4(%arg0: i32) -> (i32, i32) {
    %c0_i32 = arith.constant 0 : i32
    %c0_i32_0 = arith.constant 0 : i32
    %c0_i32_1 = arith.constant 0 : i32
    return %c0_i32, %c0_i32_0 : i32, i32
  }
  func.func @transform_5(%arg0: i32) -> (i32, i32) {
    %c0_i32 = arith.constant 0 : i32
    %c0_i32_0 = arith.constant 0 : i32
    %c0_i32_1 = arith.constant 0 : i32
    return %c0_i32, %c0_i32_0 : i32, i32
  }
  func.func @transform_6(%arg0: i32) -> (i32, i32) {
    %c0_i32 = arith.constant 0 : i32
    %c0_i32_0 = arith.constant 0 : i32
    %c0_i32_1 = arith.constant 0 : i32
    return %c0_i32, %c0_i32_0 : i32, i32
  }
  func.func @transform_7(%arg0: i32) -> (i32, i32) {
    %c0_i32 = arith.constant 0 : i32
    %c0_i32_0 = arith.constant 0 : i32
    %c0_i32_1 = arith.constant 0 : i32
    return %c0_i32, %c0_i32_0 : i32, i32
  }
  func.func @transform_8(%arg0: i32) -> (i32, i32) {
    %c0_i32 = arith.constant 0 : i32
    %c0_i32_0 = arith.constant 0 : i32
    %c0_i32_1 = arith.constant 0 : i32
    return %c0_i32, %c0_i32_0 : i32, i32
  }
  func.func @transform_9(%arg0: i32) -> (i32, i32) {
    %c0_i32 = arith.constant 0 : i32
    %c0_i32_0 = arith.constant 0 : i32
    %c0_i32_1 = arith.constant 0 : i32
    return %c0_i32, %c0_i32_0 : i32, i32
  }
}

module attributes {stable_mosaic.version = 14 : i64} {
  func.func @_expert_body(%arg0: i32, %arg1: memref<48xi32, #tpu.memory_space<smem>>, %arg2: memref<1xi32, #tpu.memory_space<smem>>, %arg3: memref<128x384xi32, #tpu.memory_space<vmem>>, %arg4: memref<1x512x768xf32, #tpu.memory_space<vmem>>, %arg5: memref<1x512x768xf32, #tpu.memory_space<vmem>>, %arg6: memref<1x768x512xf32, #tpu.memory_space<vmem>>, %arg7: memref<128x384xi32, #tpu.memory_space<vmem>>) attributes {dimension_semantics = [#tpu.dimension_semantics<arbitrary>], iteration_bounds = array<i64: 48>, scalar_prefetch = 2 : i64, scratch_operands = 0 : i64, tpu.core_type = #tpu.core_type<tc>, window_params = [{transform_indices = @transform_0, window_bounds = array<i64: 128, 384>}, {transform_indices = @transform_1, window_bounds = array<i64: 1, 512, 768>}, {transform_indices = @transform_2, window_bounds = array<i64: 1, 512, 768>}, {transform_indices = @transform_3, window_bounds = array<i64: 1, 768, 512>}, {transform_indices = @transform_4, window_bounds = array<i64: 128, 384>}]} {
    %get3A = arith.constant 0 : index
    %get3A_0 = memref.load %arg2[%get3A] : memref<1xi32, #tpu.memory_space<smem>>
    %lt3A = arith.cmpi slt, %arg0, %get3A_0 : i32
    %convert_element_type3A = arith.extui %lt3A : i1 to i32
    %cond3A = arith.constant 0 : i32
    %cond3A_1 = arith.cmpi ne, %convert_element_type3A, %cond3A : i32
    scf.if %cond3A_1 {
      %get3A_2 = arith.constant 0 : index
      %get3A_3 = arith.constant 0 : index
      %get3A_4 = vector.load %arg3[%get3A_2, %get3A_3] : memref<128x384xi32, #tpu.memory_space<vmem>>, vector<128x384xi32>
      %and3A = arith.constant 65535 : i32
      %and3A_5 = vector.broadcast %and3A : i32 to vector<128x384xi32>
      %and3A_6 = arith.andi %get3A_4, %and3A_5 : vector<128x384xi32>
      %convert_element_type3A_7 = arith.trunci %and3A_6 : vector<128x384xi32> to vector<128x384xi16>
      %bitcast_convert_type3A = tpu.bitcast %convert_element_type3A_7 : vector<128x384xi16> -> vector<128x384xbf16>
      %convert_element_type3A_8 = arith.extf %bitcast_convert_type3A : vector<128x384xbf16> to vector<128x384xf32>
      %shift_right_logical3A = arith.constant 16 : i32
      %shift_right_logical3A_9 = vector.broadcast %shift_right_logical3A : i32 to vector<128x384xi32>
      %shift_right_logical3A_10 = arith.shrui %get3A_4, %shift_right_logical3A_9 : vector<128x384xi32>
      %convert_element_type3A_11 = arith.trunci %shift_right_logical3A_10 : vector<128x384xi32> to vector<128x384xi16>
      %bitcast_convert_type3A_12 = tpu.bitcast %convert_element_type3A_11 : vector<128x384xi16> -> vector<128x384xbf16>
      %convert_element_type3A_13 = arith.extf %bitcast_convert_type3A_12 : vector<128x384xbf16> to vector<128x384xf32>
      %concatenate3A = tpu.concatenate %convert_element_type3A_8, %convert_element_type3A_13 in 1 : vector<128x384xf32>, vector<128x384xf32> -> vector<128x768xf32>
      %get3A_14 = arith.constant 0 : index
      %get3A_15 = arith.constant 0 : index
      %get3A_16 = arith.constant 0 : index
      %get3A_17 = vector.load %arg4[%get3A_14, %get3A_15, %get3A_16] : memref<1x512x768xf32, #tpu.memory_space<vmem>>, vector<1x512x768xf32>
      %get3A_18 = vector.shape_cast %get3A_17 : vector<1x512x768xf32> to vector<512x768xf32>
      %dot_general3A = arith.constant dense<0.000000e+00> : vector<128x512xf32>
      %dot_general3A_19 = tpu.matmul %concatenate3A, %get3A_18, %dot_general3A {dimension_numbers = #tpu.dot_dimension_numbers<[1], [1], [0], [0], [0, 0, 1, 0], [], []>, transpose_lhs_hint = false} : vector<128x768xf32>, vector<512x768xf32>, vector<128x512xf32> -> vector<128x512xf32>
      %get3A_20 = arith.constant 0 : index
      %get3A_21 = arith.constant 0 : index
      %get3A_22 = arith.constant 0 : index
      %get3A_23 = vector.load %arg5[%get3A_20, %get3A_21, %get3A_22] : memref<1x512x768xf32, #tpu.memory_space<vmem>>, vector<1x512x768xf32>
      %get3A_24 = vector.shape_cast %get3A_23 : vector<1x512x768xf32> to vector<512x768xf32>
      %dot_general3A_25 = arith.constant dense<0.000000e+00> : vector<128x512xf32>
      %dot_general3A_26 = tpu.matmul %concatenate3A, %get3A_24, %dot_general3A_25 {dimension_numbers = #tpu.dot_dimension_numbers<[1], [1], [0], [0], [0, 0, 1, 0], [], []>, transpose_lhs_hint = false} : vector<128x768xf32>, vector<512x768xf32>, vector<128x512xf32> -> vector<128x512xf32>
      %logistic3A = arith.negf %dot_general3A_19 : vector<128x512xf32>
      %logistic3A_27 = math.exp %logistic3A : vector<128x512xf32>
      %logistic3A_28 = arith.constant 1.000000e+00 : f32
      %logistic3A_29 = vector.broadcast %logistic3A_28 : f32 to vector<128x512xf32>
      %logistic3A_30 = arith.addf %logistic3A_29, %logistic3A_27 : vector<128x512xf32>
      %logistic3A_31 = arith.divf %logistic3A_29, %logistic3A_30 : vector<128x512xf32>
      %mul3A = arith.mulf %dot_general3A_19, %logistic3A_31 : vector<128x512xf32>
      %mul3A_32 = arith.mulf %mul3A, %dot_general3A_26 : vector<128x512xf32>
      %get3A_33 = arith.constant 0 : index
      %get3A_34 = arith.constant 0 : index
      %get3A_35 = arith.constant 0 : index
      %get3A_36 = vector.load %arg6[%get3A_33, %get3A_34, %get3A_35] : memref<1x768x512xf32, #tpu.memory_space<vmem>>, vector<1x768x512xf32>
      %get3A_37 = vector.shape_cast %get3A_36 : vector<1x768x512xf32> to vector<768x512xf32>
      %dot_general3A_38 = arith.constant dense<0.000000e+00> : vector<128x768xf32>
      %dot_general3A_39 = tpu.matmul %mul3A_32, %get3A_37, %dot_general3A_38 {dimension_numbers = #tpu.dot_dimension_numbers<[1], [1], [0], [0], [0, 0, 1, 0], [], []>, transpose_lhs_hint = false} : vector<128x512xf32>, vector<768x512xf32>, vector<128x768xf32> -> vector<128x768xf32>
      %slice3A = vector.extract_strided_slice %dot_general3A_39 {offsets = [0, 0], sizes = [128, 384], strides = [1, 1]} : vector<128x768xf32> to vector<128x384xf32>
      %convert_element_type3A_40 = arith.truncf %slice3A : vector<128x384xf32> to vector<128x384xbf16>
      %bitcast_convert_type3A_41 = tpu.bitcast %convert_element_type3A_40 : vector<128x384xbf16> -> vector<128x384xi16>
      %convert_element_type3A_42 = arith.extsi %bitcast_convert_type3A_41 : vector<128x384xi16> to vector<128x384xi32>
      %slice3A_43 = vector.extract_strided_slice %dot_general3A_39 {offsets = [0, 384], sizes = [128, 384], strides = [1, 1]} : vector<128x768xf32> to vector<128x384xf32>
      %convert_element_type3A_44 = arith.truncf %slice3A_43 : vector<128x384xf32> to vector<128x384xbf16>
      %bitcast_convert_type3A_45 = tpu.bitcast %convert_element_type3A_44 : vector<128x384xbf16> -> vector<128x384xi16>
      %convert_element_type3A_46 = arith.extsi %bitcast_convert_type3A_45 : vector<128x384xi16> to vector<128x384xi32>
      %and3A_47 = arith.constant 65535 : i32
      %and3A_48 = vector.broadcast %and3A_47 : i32 to vector<128x384xi32>
      %and3A_49 = arith.andi %convert_element_type3A_42, %and3A_48 : vector<128x384xi32>
      %shift_left3A = arith.constant 16 : i32
      %shift_left3A_50 = vector.broadcast %shift_left3A : i32 to vector<128x384xi32>
      %shift_left3A_51 = arith.shli %convert_element_type3A_46, %shift_left3A_50 : vector<128x384xi32>
      %or3A = arith.ori %and3A_49, %shift_left3A_51 : vector<128x384xi32>
      %swap3A = arith.constant 0 : index
      %swap3A_52 = arith.constant 0 : index
      %swap3A_53 = vector.load %arg7[%swap3A, %swap3A_52] : memref<128x384xi32, #tpu.memory_space<vmem>>, vector<128x384xi32>
      tpu.vector_store %arg7[%swap3A, %swap3A_52], %or3A {strides = array<i32>} : memref<128x384xi32, #tpu.memory_space<vmem>>, vector<128x384xi32>,
    } else {
    }
    return
  }
  func.func @transform_0(%arg0: i32, %arg1: memref<48xi32, #tpu.memory_space<smem>>, %arg2: memref<1xi32, #tpu.memory_space<smem>>) -> (i32, i32) {
    %c0_i32 = arith.constant 0 : i32
    %c0_i32_0 = arith.constant 0 : i32
    return %arg0, %c0_i32 : i32, i32
  }
  func.func @transform_1(%arg0: i32, %arg1: memref<48xi32, #tpu.memory_space<smem>>, %arg2: memref<1xi32, #tpu.memory_space<smem>>) -> (i32, i32, i32) {
    %get3A = arith.index_cast %arg0 : i32 to index
    %get3A_0 = memref.load %arg1[%get3A] : memref<48xi32, #tpu.memory_space<smem>>
    %c0_i32 = arith.constant 0 : i32
    %c0_i32_1 = arith.constant 0 : i32
    %c0_i32_2 = arith.constant 0 : i32
    return %get3A_0, %c0_i32, %c0_i32_1 : i32, i32, i32
  }
  func.func @transform_2(%arg0: i32, %arg1: memref<48xi32, #tpu.memory_space<smem>>, %arg2: memref<1xi32, #tpu.memory_space<smem>>) -> (i32, i32, i32) {
    %get3A = arith.index_cast %arg0 : i32 to index
    %get3A_0 = memref.load %arg1[%get3A] : memref<48xi32, #tpu.memory_space<smem>>
    %c0_i32 = arith.constant 0 : i32
    %c0_i32_1 = arith.constant 0 : i32
    %c0_i32_2 = arith.constant 0 : i32
    return %get3A_0, %c0_i32, %c0_i32_1 : i32, i32, i32
  }
  func.func @transform_3(%arg0: i32, %arg1: memref<48xi32, #tpu.memory_space<smem>>, %arg2: memref<1xi32, #tpu.memory_space<smem>>) -> (i32, i32, i32) {
    %get3A = arith.index_cast %arg0 : i32 to index
    %get3A_0 = memref.load %arg1[%get3A] : memref<48xi32, #tpu.memory_space<smem>>
    %c0_i32 = arith.constant 0 : i32
    %c0_i32_1 = arith.constant 0 : i32
    %c0_i32_2 = arith.constant 0 : i32
    return %get3A_0, %c0_i32, %c0_i32_1 : i32, i32, i32
  }
  func.func @transform_4(%arg0: i32, %arg1: memref<48xi32, #tpu.memory_space<smem>>, %arg2: memref<1xi32, #tpu.memory_space<smem>>) -> (i32, i32) {
    %c0_i32 = arith.constant 0 : i32
    %c0_i32_0 = arith.constant 0 : i32
    return %arg0, %c0_i32 : i32, i32
  }
}

module attributes {stable_mosaic.version = 14 : i64} {
  func.func @_combine_body(%arg0: i32, %arg1: memref<256x768xf32, #tpu.memory_space<vmem>>, %arg2: memref<256x384xi32, #tpu.memory_space<vmem>>, %arg3: memref<256x384xi32, #tpu.memory_space<vmem>>, %arg4: memref<256x2xf32, #tpu.memory_space<vmem>>, %arg5: memref<256x1xf32, #tpu.memory_space<vmem>>, %arg6: memref<256x768xf32, #tpu.memory_space<vmem>>) attributes {dimension_semantics = [#tpu.dimension_semantics<arbitrary>], iteration_bounds = array<i64: 8>, scalar_prefetch = 0 : i64, scratch_operands = 0 : i64, tpu.core_type = #tpu.core_type<tc>, window_params = [{transform_indices = @transform_0, window_bounds = array<i64: 256, 768>}, {transform_indices = @transform_1, window_bounds = array<i64: 256, 384>}, {transform_indices = @transform_2, window_bounds = array<i64: 256, 384>}, {transform_indices = @transform_3, window_bounds = array<i64: 256, 2>}, {transform_indices = @transform_4, window_bounds = array<i64: 256, 1>}, {transform_indices = @transform_5, window_bounds = array<i64: 256, 768>}]} {
    %get3A = arith.constant 0 : index
    %get3A_0 = arith.constant 0 : index
    %get3A_1 = vector.load %arg4[%get3A, %get3A_0] : memref<256x2xf32, #tpu.memory_space<vmem>>, vector<256x1xf32>
    %get3A_2 = arith.constant 0 : index
    %get3A_3 = arith.constant 1 : index
    %get3A_4 = vector.load %arg4[%get3A_2, %get3A_3] : memref<256x2xf32, #tpu.memory_space<vmem>>, vector<256x1xf32>
    %get3A_5 = arith.constant 0 : index
    %get3A_6 = arith.constant 0 : index
    %get3A_7 = vector.load %arg2[%get3A_5, %get3A_6] : memref<256x384xi32, #tpu.memory_space<vmem>>, vector<256x384xi32>
    %and3A = arith.constant 65535 : i32
    %and3A_8 = vector.broadcast %and3A : i32 to vector<256x384xi32>
    %and3A_9 = arith.andi %get3A_7, %and3A_8 : vector<256x384xi32>
    %convert_element_type3A = arith.trunci %and3A_9 : vector<256x384xi32> to vector<256x384xi16>
    %bitcast_convert_type3A = tpu.bitcast %convert_element_type3A : vector<256x384xi16> -> vector<256x384xbf16>
    %convert_element_type3A_10 = arith.extf %bitcast_convert_type3A : vector<256x384xbf16> to vector<256x384xf32>
    %shift_right_logical3A = arith.constant 16 : i32
    %shift_right_logical3A_11 = vector.broadcast %shift_right_logical3A : i32 to vector<256x384xi32>
    %shift_right_logical3A_12 = arith.shrui %get3A_7, %shift_right_logical3A_11 : vector<256x384xi32>
    %convert_element_type3A_13 = arith.trunci %shift_right_logical3A_12 : vector<256x384xi32> to vector<256x384xi16>
    %bitcast_convert_type3A_14 = tpu.bitcast %convert_element_type3A_13 : vector<256x384xi16> -> vector<256x384xbf16>
    %convert_element_type3A_15 = arith.extf %bitcast_convert_type3A_14 : vector<256x384xbf16> to vector<256x384xf32>
    %get3A_16 = arith.constant 0 : index
    %get3A_17 = arith.constant 0 : index
    %get3A_18 = vector.load %arg3[%get3A_16, %get3A_17] : memref<256x384xi32, #tpu.memory_space<vmem>>, vector<256x384xi32>
    %and3A_19 = arith.constant 65535 : i32
    %and3A_20 = vector.broadcast %and3A_19 : i32 to vector<256x384xi32>
    %and3A_21 = arith.andi %get3A_18, %and3A_20 : vector<256x384xi32>
    %convert_element_type3A_22 = arith.trunci %and3A_21 : vector<256x384xi32> to vector<256x384xi16>
    %bitcast_convert_type3A_23 = tpu.bitcast %convert_element_type3A_22 : vector<256x384xi16> -> vector<256x384xbf16>
    %convert_element_type3A_24 = arith.extf %bitcast_convert_type3A_23 : vector<256x384xbf16> to vector<256x384xf32>
    %shift_right_logical3A_25 = arith.constant 16 : i32
    %shift_right_logical3A_26 = vector.broadcast %shift_right_logical3A_25 : i32 to vector<256x384xi32>
    %shift_right_logical3A_27 = arith.shrui %get3A_18, %shift_right_logical3A_26 : vector<256x384xi32>
    %convert_element_type3A_28 = arith.trunci %shift_right_logical3A_27 : vector<256x384xi32> to vector<256x384xi16>
    %bitcast_convert_type3A_29 = tpu.bitcast %convert_element_type3A_28 : vector<256x384xi16> -> vector<256x384xbf16>
    %convert_element_type3A_30 = arith.extf %bitcast_convert_type3A_29 : vector<256x384xbf16> to vector<256x384xf32>
    %get3A_31 = arith.constant 0 : index
    %get3A_32 = arith.constant 0 : index
    %get3A_33 = vector.load %arg5[%get3A_31, %get3A_32] : memref<256x1xf32, #tpu.memory_space<vmem>>, vector<256x1xf32>
    %get3A_34 = arith.constant 0 : index
    %get3A_35 = arith.constant 0 : index
    %get3A_36 = vector.load %arg1[%get3A_34, %get3A_35] : memref<256x768xf32, #tpu.memory_space<vmem>>, vector<256x768xf32>
    %mul3A = vector.broadcast %get3A_33 : vector<256x1xf32> to vector<256x768xf32>
    %mul3A_37 = arith.mulf %mul3A, %get3A_36 : vector<256x768xf32>
    %gt3A = arith.constant 0.000000e+00 : f32
    %gt3A_38 = vector.broadcast %gt3A : f32 to vector<256x1xf32>
    %gt3A_39 = arith.cmpf ogt, %get3A_1, %gt3A_38 : vector<256x1xf32>
    %mul3A_40 = vector.broadcast %get3A_1 : vector<256x1xf32> to vector<256x384xf32>
    %mul3A_41 = arith.mulf %mul3A_40, %convert_element_type3A_10 : vector<256x384xf32>
    %jit3A = arith.constant 0.000000e+00 : f32
    %broadcast_in_dim3A = vector.shape_cast %gt3A_39 : vector<256x1xi1> to vector<256x1xi1>
    %broadcast_in_dim3A_42 = vector.broadcast %broadcast_in_dim3A : vector<256x1xi1> to vector<256x384xi1>
    %broadcast_in_dim3A_43 = vector.broadcast %jit3A : f32 to vector<256x384xf32>
    %select_n3A = arith.select %broadcast_in_dim3A_42, %mul3A_41, %broadcast_in_dim3A_43 : vector<256x384xi1>, vector<256x384xf32>
    %gt3A_44 = arith.constant 0.000000e+00 : f32
    %gt3A_45 = vector.broadcast %gt3A_44 : f32 to vector<256x1xf32>
    %gt3A_46 = arith.cmpf ogt, %get3A_4, %gt3A_45 : vector<256x1xf32>
    %mul3A_47 = vector.broadcast %get3A_4 : vector<256x1xf32> to vector<256x384xf32>
    %mul3A_48 = arith.mulf %mul3A_47, %convert_element_type3A_24 : vector<256x384xf32>
    %jit3A_49 = arith.constant 0.000000e+00 : f32
    %broadcast_in_dim3A_50 = vector.shape_cast %gt3A_46 : vector<256x1xi1> to vector<256x1xi1>
    %broadcast_in_dim3A_51 = vector.broadcast %broadcast_in_dim3A_50 : vector<256x1xi1> to vector<256x384xi1>
    %broadcast_in_dim3A_52 = vector.broadcast %jit3A_49 : f32 to vector<256x384xf32>
    %select_n3A_53 = arith.select %broadcast_in_dim3A_51, %mul3A_48, %broadcast_in_dim3A_52 : vector<256x384xi1>, vector<256x384xf32>
    %add3A = arith.addf %select_n3A, %select_n3A_53 : vector<256x384xf32>
    %slice3A = vector.extract_strided_slice %mul3A_37 {offsets = [0, 0], sizes = [256, 384], strides = [1, 1]} : vector<256x768xf32> to vector<256x384xf32>
    %add3A_54 = arith.addf %add3A, %slice3A : vector<256x384xf32>
    %swap3A = arith.constant 0 : index
    %swap3A_55 = arith.constant 0 : index
    %swap3A_56 = vector.load %arg6[%swap3A, %swap3A_55] : memref<256x768xf32, #tpu.memory_space<vmem>>, vector<256x384xf32>
    tpu.vector_store %arg6[%swap3A, %swap3A_55], %add3A_54 {strides = array<i32>} : memref<256x768xf32, #tpu.memory_space<vmem>>, vector<256x384xf32>,
    %gt3A_57 = arith.constant 0.000000e+00 : f32
    %gt3A_58 = vector.broadcast %gt3A_57 : f32 to vector<256x1xf32>
    %gt3A_59 = arith.cmpf ogt, %get3A_1, %gt3A_58 : vector<256x1xf32>
    %mul3A_60 = vector.broadcast %get3A_1 : vector<256x1xf32> to vector<256x384xf32>
    %mul3A_61 = arith.mulf %mul3A_60, %convert_element_type3A_15 : vector<256x384xf32>
    %jit3A_62 = arith.constant 0.000000e+00 : f32
    %broadcast_in_dim3A_63 = vector.shape_cast %gt3A_59 : vector<256x1xi1> to vector<256x1xi1>
    %broadcast_in_dim3A_64 = vector.broadcast %broadcast_in_dim3A_63 : vector<256x1xi1> to vector<256x384xi1>
    %broadcast_in_dim3A_65 = vector.broadcast %jit3A_62 : f32 to vector<256x384xf32>
    %select_n3A_66 = arith.select %broadcast_in_dim3A_64, %mul3A_61, %broadcast_in_dim3A_65 : vector<256x384xi1>, vector<256x384xf32>
    %gt3A_67 = arith.constant 0.000000e+00 : f32
    %gt3A_68 = vector.broadcast %gt3A_67 : f32 to vector<256x1xf32>
    %gt3A_69 = arith.cmpf ogt, %get3A_4, %gt3A_68 : vector<256x1xf32>
    %mul3A_70 = vector.broadcast %get3A_4 : vector<256x1xf32> to vector<256x384xf32>
    %mul3A_71 = arith.mulf %mul3A_70, %convert_element_type3A_30 : vector<256x384xf32>
    %jit3A_72 = arith.constant 0.000000e+00 : f32
    %broadcast_in_dim3A_73 = vector.shape_cast %gt3A_69 : vector<256x1xi1> to vector<256x1xi1>
    %broadcast_in_dim3A_74 = vector.broadcast %broadcast_in_dim3A_73 : vector<256x1xi1> to vector<256x384xi1>
    %broadcast_in_dim3A_75 = vector.broadcast %jit3A_72 : f32 to vector<256x384xf32>
    %select_n3A_76 = arith.select %broadcast_in_dim3A_74, %mul3A_71, %broadcast_in_dim3A_75 : vector<256x384xi1>, vector<256x384xf32>
    %add3A_77 = arith.addf %select_n3A_66, %select_n3A_76 : vector<256x384xf32>
    %slice3A_78 = vector.extract_strided_slice %mul3A_37 {offsets = [0, 384], sizes = [256, 384], strides = [1, 1]} : vector<256x768xf32> to vector<256x384xf32>
    %add3A_79 = arith.addf %add3A_77, %slice3A_78 : vector<256x384xf32>
    %swap3A_80 = arith.constant 0 : index
    %swap3A_81 = arith.constant 384 : index
    %swap3A_82 = vector.load %arg6[%swap3A_80, %swap3A_81] : memref<256x768xf32, #tpu.memory_space<vmem>>, vector<256x384xf32>
    tpu.vector_store %arg6[%swap3A_80, %swap3A_81], %add3A_79 {strides = array<i32>} : memref<256x768xf32, #tpu.memory_space<vmem>>, vector<256x384xf32>,
    return
  }
  func.func @transform_0(%arg0: i32) -> (i32, i32) {
    %c0_i32 = arith.constant 0 : i32
    %c0_i32_0 = arith.constant 0 : i32
    return %arg0, %c0_i32 : i32, i32
  }
  func.func @transform_1(%arg0: i32) -> (i32, i32) {
    %c0_i32 = arith.constant 0 : i32
    %c0_i32_0 = arith.constant 0 : i32
    return %arg0, %c0_i32 : i32, i32
  }
  func.func @transform_2(%arg0: i32) -> (i32, i32) {
    %c0_i32 = arith.constant 0 : i32
    %c0_i32_0 = arith.constant 0 : i32
    return %arg0, %c0_i32 : i32, i32
  }
  func.func @transform_3(%arg0: i32) -> (i32, i32) {
    %c0_i32 = arith.constant 0 : i32
    %c0_i32_0 = arith.constant 0 : i32
    return %arg0, %c0_i32 : i32, i32
  }
  func.func @transform_4(%arg0: i32) -> (i32, i32) {
    %c0_i32 = arith.constant 0 : i32
    %c0_i32_0 = arith.constant 0 : i32
    return %arg0, %c0_i32 : i32, i32
  }
  func.func @transform_5(%arg0: i32) -> (i32, i32) {
    %c0_i32 = arith.constant 0 : i32
    %c0_i32_0 = arith.constant 0 : i32
    return %arg0, %c0_i32 : i32, i32
  }
}

</mosaic_0001>

<sc_bundles>
// kernel: kernel.10.cloned.1.call-start
scs
__scs_entry_jumppad:
0x0: {  	(pc) =	sbr.rel $0x88, $3  }
0x1: {  	(tag) =	ssettag $0x0;
	lr =	simm.s32 $0x1  }
0x2: {  	[smem:$0x3F9B] =	sst lr;
	_ =	strace $0xD0000000  }
0x3: {  	_ = 	snop  }
0x4: {  	_ = 	snop  }
0x5: {  	_ = 	snop  }
0x6: {  	_ = 	snop  }
0x7: {  	_ = 	snop  }
__scs_overlays_trampoline_lowered:
0x8: {  	[smem:$0x3FAA] =	sst s0  }
0x9: {  	[smem:$0x3FAB] =	sst s1  }
0xa: {  	[smem:$0x3FAC] =	sst s2  }
0xb: {  	[smem:$0x3FAD] =	sst s3  }
0xc: {  	[smem:$0x3FAE] =	sst s4  }
0xd: {  	[smem:$0x3FAF] =	sst s5  }
0xe: {  	[smem:$0x3FB0] =	sst s6  }
0xf: {  	[smem:$0x3FB1] =	sst s7  }
0x10: {  	[smem:$0x3FB2] =	sst s8  }
0x11: {  	[smem:$0x3FB3] =	sst s9;
	s0 =	simm.s32 @!p0 $0x0  }
0x12: {  	s1 =	sld [smem:$0x3F99];
	s0 =	simm.s32 @p0 $0x1  }
0x13: {  	[smem:$0x3FB4] =	sst s0;
	s0 =	simm.s32 @!p1 $0x0  }
0x14: {  	s2 =	sld [smem:$0x3F98];
	s0 =	simm.s32 @p1 $0x1  }
0x15: {  	[smem:$0x3FB5] =	sst s0;
	s0 =	simm.s32 @!p2 $0x0  }
0x16: {  	s3 =	sld [smem:$0x3FDB];
	s0 =	simm.s32 @p2 $0x1  }
0x17: {  	s4 =	simm.s32 $0x1BF5;
	[smem:$0x3FB7] =	sst s0  }
0x18: {  	s0 =	sld [smem:$0x3F9A];
	_ =	swait.ge [sflag:s4], $0x0  }
0x19: {  	s7 =	sld [smem:$0x3F9B]  }
0x1a: {  	s8 =	sadd.s32 $0xFFFFE003, lr  }
0x1b: {  	s9 =	sadd.s32 $0xFFFFFEF7, lr;
	s5 =	simm.s32 $0xFFFFFFFF;
	p2 =	slt.u32 s8, $0xFFFFF086  }
0x1c: {  	p1 =	slt.u32 s9, $0xF7A;
	s5 =	simm.s32 @!p2 $0x0  }
0x1d: {  	s5 =	simm.s32 @p1 $0x1;
	p0 =	seq.s32 s7, s2  }
0x1e: {  	s7 =	smul.u32 @!p0 $0xF7A, s2;
	p2 =	seq.s32 @!p0 s5, $0x0  }
0x1f: {  	s9 =	smul.u32 $0xF7A, s1;
	s8 =	simm.s32 @!p0 $0x1BF5;
	p2 =	por !p2, p0  }
0x20: {  	[sflag:s8] =	ssyncset.s32 @!p0 $0xFFFFF086;
	s6 =	sadd.s32 @!p0 s3, s7;
	s7 =	simm.s32 @!p0 $0x108  }
0x21: {  	s3 =	sadd.s32 s3, s9;
	s6 =	sadd.s32 @!p0 $0x88, s6;
	s7 =	simm.s32 @p2 $0x1082  }
0x22: {  	[simem:s7], [sflag:s8] =	dma.local @!p0 [hbm:s6], $0xF7A  }
0x23: {  	s9 =	sor.u32 $0xD0000000, s2;
	s6 =	simm.s32 $0x108;
	_ =	swait.ge @!p0 [sflag:s8], $0x0  }
0x24: {  	s3 =	sadd.s32 $0x88, s3;
	s6 =	simm.s32 @!p1 $0x1082;
	[sflag:s4] =	ssyncset.s32 $0xFFFFF086  }
0x25: {  	[simem:s6], [sflag:s4] =	dma.local [hbm:s3], $0xF7A  }
0x26: {  	[smem:$0x3F9B] =	sst s1;
	(tag) =	ssettag s2;
	_ =	strace s9  }
0x27: {  	s1 =	sld [smem:$0x3FAB]  }
0x28: {  	s2 =	sld [smem:$0x3FAC]  }
0x29: {  	s4 =	sld [smem:$0x3FAE]  }
0x2a: {  	p0 =	seq.s32 s5, $0x0;
	s5 =	sld [smem:$0x3FAF]  }
0x2b: {  	s6 =	sld [smem:$0x3FB0]  }
0x2c: {  	s7 =	sld [smem:$0x3FB1]  }
0x2d: {  	s3 =	simm.s32 $0x108;
	s8 =	sld [smem:$0x3FB2]  }
0x2e: {  	s3 =	simm.s32 @!p0 $0x1082;
	s9 =	sld [smem:$0x3FB3]  }
0x2f: {  	lr =	sadd.s32 s0, s3;
	s0 =	sld [smem:$0x3FAA]  }
0x30: {  	s3 =	sld [smem:$0x3FAD]  }
0x31: {  	[smem:$0x3FB6] =	sst s10  }
0x32: {  	s10 =	sld [smem:$0x3FB4];
	_ =	sdelay $0x3  }
0x33: {  	p0 =	seq.s32 s10, $0x1;
	s10 =	sld [smem:$0x3FB6];
	_ =	sdelay $0x3  }
0x34: {  	[smem:$0x3FB6] =	sst s10  }
0x35: {  	s10 =	sld [smem:$0x3FB5];
	_ =	sdelay $0x3  }
0x36: {  	p1 =	seq.s32 s10, $0x1;
	s10 =	sld [smem:$0x3FB6];
	_ =	sdelay $0x3  }
0x37: {  	[smem:$0x3FB6] =	sst s10  }
0x38: {  	s10 =	sld [smem:$0x3FB7]  }
0x39: {  	_ = 	snop;
	(pc) =	sbr.ind lr, $3  }
0x3a: {  	_ = 	snop  }
0x3b: {  	_ = 	snop  }
0x3c: {  	p2 =	seq.s32 s10, $0x1;
	s10 =	sld [smem:$0x3FB6]  }
0x3d: {  	_ =	shalt  }
0x3e: {  	_ =	shalt  }
0x3f: {  	_ =	shalt  }
0x40: {  	_ =	shalt  }
0x41: {  	_ =	shalt  }
0x42: {  	_ =	shalt  }
0x43: {  	_ =	shalt  }
0x44: {  	_ =	shalt  }
0x45: {  	_ =	shalt  }
0x46: {  	_ =	shalt  }
0x47: {  	_ =	shalt  }
0x48: {  	_ =	shalt  }
0x49: {  	_ =	shalt  }
0x4a: {  	_ =	shalt  }
0x4b: {  	_ =	shalt  }
0x4c: {  	_ =	shalt  }
0x4d: {  	_ =	shalt  }
0x4e: {  	_ =	shalt  }
0x4f: {  	_ =	shalt  }
0x50: {  	_ =	shalt  }
0x51: {  	_ =	shalt  }
0x52: {  	_ =	shalt  }
0x53: {  	_ =	shalt  }
0x54: {  	_ =	shalt  }
0x55: {  	_ =	shalt  }
0x56: {  	_ =	shalt  }
0x57: {  	_ =	shalt  }
0x58: {  	_ =	shalt  }
0x59: {  	_ =	shalt  }
0x5a: {  	_ =	shalt  }
0x5b: {  	_ =	shalt  }
0x5c: {  	_ =	shalt  }
0x5d: {  	_ =	shalt  }
0x5e: {  	_ =	shalt  }
0x5f: {  	_ =	shalt  }
0x60: {  	_ =	shalt  }
0x61: {  	_ =	shalt  }
0x62: {  	_ =	shalt  }
0x63: {  	_ =	shalt  }
0x64: {  	_ =	shalt  }
0x65: {  	_ =	shalt  }
0x66: {  	_ =	shalt  }
0x67: {  	_ =	shalt  }
0x68: {  	_ =	shalt  }
0x69: {  	_ =	shalt  }
0x6a: {  	_ =	shalt  }
0x6b: {  	_ =	shalt  }
0x6c: {  	_ =	shalt  }
0x6d: {  	_ =	shalt  }
0x6e: {  	_ =	shalt  }
0x6f: {  	_ =	shalt  }
0x70: {  	_ =	shalt  }
0x71: {  	_ =	shalt  }
0x72: {  	_ =	shalt  }
0x73: {  	_ =	shalt  }
0x74: {  	_ =	shalt  }
0x75: {  	_ =	shalt  }
0x76: {  	_ =	shalt  }
0x77: {  	_ =	shalt  }
0x78: {  	_ =	shalt  }
0x79: {  	_ =	shalt  }
0x7a: {  	_ =	shalt  }
0x7b: {  	_ =	shalt  }
0x7c: {  	_ =	shalt  }
0x7d: {  	_ =	shalt  }
0x7e: {  	_ =	shalt  }
0x7f: {  	_ =	shalt  }
0x80: {  	_ =	shalt  }
0x81: {  	_ =	shalt  }
0x82: {  	_ =	shalt  }
0x83: {  	_ =	shalt  }
0x84: {  	_ =	shalt  }
0x85: {  	_ =	shalt  }
0x86: {  	_ =	shalt  }
0x87: {  	_ =	shalt  }
.Lfunc_end0:
.L_simem_size_0:
called_computation.1_lowered:
.L_overlay_start_0:
0x88: {  	s2 =	sld [smem:$0x3FD9]  }
0x89: {  	s3 =	sld [smem:$0x3FFE];
	_ =	sdelay $0x1  }
0x8a: {  	s1 =	srdreg.scid  }
0x8b: {  	s0 =	sand.u32 $0x1, s1  }
0x8c: {  	s17 =	sshll.u32 s0, $0xA;
	s2 =	sadd.s32 s3, s2  }
0x8d: {  	s2 =	sadd.s32 s2, s17  }
0x8e: {  	[smem:$0x3FC2] =	sst s2  }
0x8f: {  	_ = 	snop  }
0x90: {  	s2 =	sld [smem:$0x3FD0];
	(tm) =	ssettm $0x1  }
0x91: {  	s18 =	sld [smem:$0x3FFB];
	_ =	sdelay $0x3  }
0x92: {  	_ =	strace s18  }
0x93: {  	s3 =	sld [smem:$0x3FFC];
	_ =	sdelay $0x3  }
0x94: {  	_ =	strace s3  }
0x95: {  	s3 =	sld [smem:$0x3FFD];
	_ =	sdelay $0x3  }
0x96: {  	_ =	strace s3  }
0x97: {  	_ =	strace $0x8FFFFFFF  }
0x98: {  	s19 =	sld [smem:$0x3FDB];
	_ =	sdelay $0x1  }
0x99: {  	s4 =	simm.s32 $_scs_section_size  }
0x9a: {  	s5 =	simm.s32 $_size__tile_overlayer_lowered;
	s6 =	simm.s32 $_tile_overlayer_lowered  }
0x9b: {  	s22 =	simm.s32 $0x1BFF;
	s21 =	sshll.u32 s6, $0x1;
	s3 =	sadd.s32 s4, s19  }
0x9c: {  	s7 =	simm.s32 $0x0;
	s20 =	sshll.u32 s5, $0x1;
	s5 =	sadd.s32 s21, s3  }
0x9d: {  	[timem:s7], [sflag:s22] =	dma.local [hbm:s5], s20  }
0x9e: {  	_ =	swait.ge [sflag:s22], s20  }
0x9f: {  	s4 =	ssub.s32 $0x0, s20;
	[sflag:s22] =	ssyncset.done $0x0  }
0xa0: {  	[sflag:s22] =	ssyncadd.s32 s4;
	_ =	sdelay $0x1  }
0xa1: {  	s23 =	simm.s32 $0x1B8B  }
0xa2: {  	_ =	swait.ge [sflag:s23], $0x1  }
0xa3: {  	[sflag:s23] =	ssyncset.done $0x0  }
0xa4: {  	s25 =	simm.s32 $0x1B8E;
	s24 =	sld [smem:$0x3FFE];
	[sflag:s23] =	ssyncadd.s32 $0xFFFFFFFF  }
0xa5: {  	s26 =	simm.s32 $execute0_lowered;
	[smem:$0x3FD2] =	sst s25  }
0xa6: {  	s5 =	sshll.u32 s26, $0x1;
	_ =	strace $0x80000049;
	[dreg:$0x1] =	wrdreg $0xFFFFFFFF  }
0xa7: {  	s28 =	simm.s32 $_size_execute0_lowered;
	s3 =	sadd.s32 s3, s5;
	[dreg:$0x0] =	wrdreg $0x0  }
0xa8: {  	s5 =	sshll.u32 s28, $0x1;
	[dreg:$0x2] =	wrdreg s3  }
0xa9: {  	[dreg:$0x3] =	wrdreg s5  }
0xaa: {  	[dreg:$0x4] =	wrdreg $0xC0  }
0xab: {  	_ =	task [dreg:s7], $0x5FFFF  }
0xac: {  	[dreg:$0x1] =	wrdreg $0xFFFFFFFF  }
0xad: {  	[dreg:$0x0] =	wrdreg $0x60  }
0xae: {  	[dreg:$0x2] =	wrdreg s24  }
0xaf: {  	[dreg:$0x3] =	wrdreg s2  }
0xb0: {  	[dreg:$0x4] =	wrdreg $0x9  }
0xb1: {  	_ =	task.clear_ibuf [dreg:s7], $0x5FFFF;
	_ =	strace $0x90000049  }
0xb2: {  	s29 =	simm.s32 $0x9;
	_ =	strace $0x8000004B  }
0xb3: {  	_ =	swait.ge [sflag:s29], $0x1  }
0xb4: {  	[sflag:s29] =	ssyncadd.s32 $0xFFFFFFFF  }
0xb5: {  	_ =	strace $0x9000004B  }
0xb6: {  	_ =	sfence  }
0xb7: {  	s30 =	sld [smem:$0x0];
	_ =	sdelay $0x2  }
0xb8: {  	s31 =	sshll.u32 s1, $0xD;
	s1 =	sshrl.u32 s1, $0x2  }
0xb9: {  	s3 =	sand.u32 $0x4000, s31;
	s1 =	sadd.s32 s1, s30  }
0xba: {  	s0 =	sor.u32 s3, s0;
	s1 =	sshll.u32 s1, $0x11  }
0xbb: {  	s0 =	sor.u32 s1, s0  }
0xbc: {  	s0 =	sadd.s32 $0x8F2B, s0  }
0xbd: {  	[sflag:s0] =	ssyncadd.remote.s32 $0x1  }
0xbe: {  	_ =	sfence.sel $0xFFFF  }
0xbf: {  	[dreg:$0x0] =	wrdreg $0xFFFFFFFF;
	(pc) =	sbr.abs _section_cstart, $3  }
0xc0: {  	[dreg:$0x1] =	wrdreg $0xFFFFFFFF  }
0xc1: {  	_ =	task.clear_ibuf [dreg:s7], $0x2FFFF;
	_ =	strace $0x9FFFFFFF  }
0xc2: {  	(tm) =	ssettm $0x7FFFFFFF  }
0xc3: {  	_ =	shalt  }
tec
execute0_lowered:
.L_overlay_start_1:
0x0: {  	(tag) =	ssettag $0x1  }
0x1: {  	s1 =	srdreg.scid  }
0x2: {  	s0 =	stileid.u32;
	s4 =	rddreg [dreg:$0x0]  }
0x3: {  	s3 =	rddreg [dreg:$0x1];
	s16 =	simm.s32 $0x80;
	s17 =	simm.s32 $0x900  }
0x4: {  	s18 =	simm.s32 $0xD00;
	s1 =	sand.u32 $0x1, s1;
	s2 =	sshll.u32 s0, $0x1  }
0x5: {  	s19 =	simm.s32 $0x1500;
	s5 =	sor.u32 s1, s2;
	s2 =	simm.s32 $0x0  }
0x6: {  	s20 =	simm.s32 $0x1900;
	s21 =	simm.s32 $0x2100;
	[smem:$0x7FF] =	sst s2  }
0x7: {  	s23 =	simm.s32 $0x2500;
	_ =	strace $0x8000004A;
	[dreg:$0x7] =	wrdreg s16  }
0x8: {  	s24 =	simm.s32 $0x2D00;
	s25 =	simm.s32 $0x3100;
	[dreg:$0x8] =	wrdreg s17  }
0x9: {  	s26 =	simm.s32 $0x3900;
	s10 =	simm.s32 $0x4900;
	[dreg:$0x9] =	wrdreg s18  }
0xa: {  	s11 =	simm.s32 $0x5100;
	s12 =	simm.s32 $0x5500;
	[dreg:$0xa] =	wrdreg s19  }
0xb: {  	s13 =	simm.s32 $0x5D00;
	s28 =	simm.s32 $0xB100;
	[dreg:$0xb] =	wrdreg s20  }
0xc: {  	s29 =	simm.s32 $0xB500;
	s30 =	simm.s32 $0xBD00;
	[dreg:$0xc] =	wrdreg s21  }
0xd: {  	s31 =	simm.s32 $0x1;
	s1 =	ssub.s32 $0x2, s1;
	[dreg:$0xd] =	wrdreg s23  }
0xe: {  	s6 =	sshll.u32 s5, $0x4;
	s5 =	smul.u32 $0xC00, s5;
	[dreg:$0xe] =	wrdreg s24  }
0xf: {  	s22 =	sshrl.u32 s1, $0x1;
	s6 =	sadd.s32 s6, s4;
	[dreg:$0xf] =	wrdreg s25  }
0x10: {  	s1 =	ssub.s32 s1, s22;
	[dreg:$0x10] =	wrdreg s26;
	s16 =	simm.s32 $0x6D00  }
0x11: {  	s17 =	simm.s32 $0x7500;
	s18 =	simm.s32 $0x7900;
	s19 =	simm.s32 $0x8100  }
0x12: {  	s20 =	simm.s32 $0x8500;
	s21 =	simm.s32 $0x8D00;
	s22 =	simm.s32 $0x9100  }
0x13: {  	s23 =	simm.s32 $0x9900;
	s24 =	simm.s32 $0x9D00;
	s25 =	simm.s32 $0xA500  }
0x14: {  	s26 =	simm.s32 $0xA900;
	s7 =	sadd.s32 $0x1800, s6;
	s6 =	sadd.s32 $0x1600, s6  }
0x15: {  	s14 =	sadd.s32 s5, s4;
	s3 =	sadd.s32 s3, s5;
	[dreg:$0x3] =	wrdreg s7  }
0x16: {  	s5 =	smax.u32 s1, $0x1;
	s1 =	simm.s32 $0x3;
	[dreg:$0x4] =	wrdreg s6  }
0x17: {  	v2 =	vlaneseq.u32;
	[dreg:$0x5] =	wrdreg s3;
	s15 =	sadd.s32 $0x4B200, s14;
	s3 =	sadd.s32 $0x1A00, s4  }
0x18: {  	vm0 =	vmmov $0xffff;
	vm1 =	vmmov $0xff;
	v1 =	vshrl.u32 v2, $0x3;
	s4 =	sadd.s32 $0x1B00, s4;
	s6 =	simm.s32 $0x2;
	s7 =	simm.s32 $0x100  }
0x19: {  	v0 =	vand.u32 $0x7, v2;
	v2 =	vor.u32 $0x8, v2;
	v1 =	vmul.u32 $0x8, v1;
	s14 =	simm.s32 $0x6100;
	[dreg:$0x6] =	wrdreg s15;
	s15 =	simm.s32 $0x6900  }
.LBB2_1:
0x1a: {  	s0 =	rddreg [dreg:$0x3]  }
0x1b: {  	s8 =	rddreg [dreg:$0x4]  }
0x1c: {  	[tilespmem:s2], [sflag:$0x2] =	stream.linear.gather [hbm4b:s0+s2], $0x80, $0x38;
	[tilespmem:$0xC100] =	vst v63  }
0x1d: {  	s9 =	rddreg [dreg:$0x7]  }
0x1e: {  	[tilespmem:s9], [sflag:$0x2] =	stream.linear.gather [hbm4b:s8+s2], $0x80, $0x38;
	[tilespmem:$0xC100] =	vst v63  }
0x1f: {  	_ =	swait.ge [sflag:s6], $0x80  }
0x20: {  	[sflag:s6] =	ssyncset.done $0x0  }
0x21: {  	[sflag:s6] =	ssyncadd.s32 $0xFFFFFF80  }
0x22: {  	_ =	swait.ge [sflag:s6], $0x80  }
0x23: {  	[sflag:s6] =	ssyncset.done $0x0  }
0x24: {  	[sflag:s6] =	ssyncadd.s32 $0xFFFFFF80  }
0x25: {  	v3 =	vld [tilespmem:$0x0];
	_ =	sdelay $0x4  }
0x26: {  	v4 =	vshrl.u32 v3, $0x3  }
0x27: {  	v4 =	vmul.u32 $0x18, v4  }
0x28: {  	v3 =	vand.u32 $0x7, v3  }
0x29: {  	v3 =	vor.u32 v3, v4  }
0x2a: {  	v4 =	vperm.xlane v3, v0;
	_ =	sdelay $0x1  }
0x2b: {  	v4 =	vadd.s32 v1, v4;
	_ =	sdelay $0x1  }
0x2c: {  	v3 =	vperm.xlane v3, v2;
	_ =	sdelay $0x1  }
0x2d: {  	v3 =	vadd.s32 v1, v3  }
0x2e: {  	[tilespmem:s7], [sflag:$0x1] =	stream.indirect_vreg.gather [hbm4b:s3+s2], $0x80, v4, vm0, $0xb8;
	[tilespmem:$0xC100] =	vst v63  }
0x2f: {  	s9 =	rddreg [dreg:$0x8]  }
0x30: {  	[tilespmem:s9], [sflag:$0x1] =	stream.indirect_vreg.gather [hbm4b:s4+s2], $0x80, v4, vm1, $0xb8;
	[tilespmem:$0xC100] =	vst v63  }
0x31: {  	s8 =	rddreg [dreg:$0x9]  }
0x32: {  	[tilespmem:s8], [sflag:$0x1] =	stream.indirect_vreg.gather [hbm4b:s3+s2], $0x80, v3, vm0, $0xb8;
	[tilespmem:$0xC100] =	vst v63  }
0x33: {  	s9 =	rddreg [dreg:$0xa]  }
0x34: {  	[tilespmem:s9], [sflag:$0x1] =	stream.indirect_vreg.gather [hbm4b:s4+s2], $0x80, v3, vm1, $0xb8;
	[tilespmem:$0xC100] =	vst v63  }
0x35: {  	v3 =	vld [tilespmem:$0x10];
	_ =	sdelay $0x4  }
0x36: {  	v57 =	vshrl.u32 v3, $0x3  }
0x37: {  	v4 =	vmul.u32 $0x18, v57  }
0x38: {  	v3 =	vand.u32 $0x7, v3  }
0x39: {  	v3 =	vor.u32 v3, v4  }
0x3a: {  	v4 =	vperm.xlane v3, v0;
	_ =	sdelay $0x1  }
0x3b: {  	v4 =	vadd.s32 v1, v4;
	_ =	sdelay $0x1  }
0x3c: {  	v3 =	vperm.xlane v3, v2;
	_ =	sdelay $0x1  }
0x3d: {  	s8 =	rddreg [dreg:$0xb];
	v3 =	vadd.s32 v1, v3  }
0x3e: {  	[tilespmem:s8], [sflag:$0x1] =	stream.indirect_vreg.gather [hbm4b:s3+s2], $0x80, v4, vm0, $0xb8;
	[tilespmem:$0xC100] =	vst v63  }
0x3f: {  	s9 =	rddreg [dreg:$0xc]  }
0x40: {  	[tilespmem:s9], [sflag:$0x1] =	stream.indirect_vreg.gather [hbm4b:s4+s2], $0x80, v4, vm1, $0xb8;
	[tilespmem:$0xC100] =	vst v63  }
0x41: {  	s0 =	rddreg [dreg:$0xd]  }
0x42: {  	[tilespmem:s0], [sflag:$0x1] =	stream.indirect_vreg.gather [hbm4b:s3+s2], $0x80, v3, vm0, $0xb8;
	[tilespmem:$0xC100] =	vst v63  }
0x43: {  	s9 =	rddreg [dreg:$0xe]  }
0x44: {  	[tilespmem:s9], [sflag:$0x1] =	stream.indirect_vreg.gather [hbm4b:s4+s2], $0x80, v3, vm1, $0xb8;
	[tilespmem:$0xC100] =	vst v63  }
0x45: {  	v3 =	vld [tilespmem:$0x20];
	_ =	sdelay $0x4  }
0x46: {  	v58 =	vshrl.u32 v3, $0x3  }
0x47: {  	v4 =	vmul.u32 $0x18, v58  }
0x48: {  	v3 =	vand.u32 $0x7, v3  }
0x49: {  	v3 =	vor.u32 v3, v4  }
0x4a: {  	v4 =	vperm.xlane v3, v0;
	_ =	sdelay $0x1  }
0x4b: {  	v4 =	vadd.s32 v1, v4;
	_ =	sdelay $0x1  }
0x4c: {  	v3 =	vperm.xlane v3, v2;
	_ =	sdelay $0x1  }
0x4d: {  	s8 =	rddreg [dreg:$0xf];
	v3 =	vadd.s32 v1, v3  }
0x4e: {  	[tilespmem:s8], [sflag:$0x1] =	stream.indirect_vreg.gather [hbm4b:s3+s2], $0x80, v4, vm0, $0xb8;
	[tilespmem:$0xC100] =	vst v63  }
0x4f: {  	s9 =	rddreg [dreg:$0x10]  }
0x50: {  	[tilespmem:s9], [sflag:$0x1] =	stream.indirect_vreg.gather [hbm4b:s4+s2], $0x80, v4, vm1, $0xb8;
	[tilespmem:$0xC100] =	vst v63  }
0x51: {  	s8 =	simm.s32 $0x3D00  }
0x52: {  	[tilespmem:s8], [sflag:$0x1] =	stream.indirect_vreg.gather [hbm4b:s3+s2], $0x80, v3, vm0, $0xb8;
	[tilespmem:$0xC100] =	vst v63  }
0x53: {  	s9 =	simm.s32 $0x4500  }
0x54: {  	[tilespmem:s9], [sflag:$0x1] =	stream.indirect_vreg.gather [hbm4b:s4+s2], $0x80, v3, vm1, $0xb8;
	[tilespmem:$0xC100] =	vst v63  }
0x55: {  	v3 =	vld [tilespmem:$0x30];
	_ =	sdelay $0x4  }
0x56: {  	v59 =	vshrl.u32 v3, $0x3  }
0x57: {  	v4 =	vmul.u32 $0x18, v59  }
0x58: {  	v3 =	vand.u32 $0x7, v3  }
0x59: {  	v3 =	vor.u32 v3, v4  }
0x5a: {  	v4 =	vperm.xlane v3, v0;
	_ =	sdelay $0x1  }
0x5b: {  	v4 =	vadd.s32 v1, v4;
	_ =	sdelay $0x1  }
0x5c: {  	v3 =	vperm.xlane v3, v2;
	_ =	sdelay $0x1  }
0x5d: {  	v3 =	vadd.s32 v1, v3  }
0x5e: {  	[tilespmem:s10], [sflag:$0x1] =	stream.indirect_vreg.gather [hbm4b:s3+s2], $0x80, v4, vm0, $0xb8;
	[tilespmem:$0xC100] =	vst v63  }
0x5f: {  	_ = 	snop  }
0x60: {  	[tilespmem:s11], [sflag:$0x1] =	stream.indirect_vreg.gather [hbm4b:s4+s2], $0x80, v4, vm1, $0xb8;
	[tilespmem:$0xC100] =	vst v63  }
0x61: {  	_ = 	snop  }
0x62: {  	[tilespmem:s12], [sflag:$0x1] =	stream.indirect_vreg.gather [hbm4b:s3+s2], $0x80, v3, vm0, $0xb8;
	[tilespmem:$0xC100] =	vst v63  }
0x63: {  	_ = 	snop  }
0x64: {  	[tilespmem:s13], [sflag:$0x1] =	stream.indirect_vreg.gather [hbm4b:s4+s2], $0x80, v3, vm1, $0xb8;
	[tilespmem:$0xC100] =	vst v63  }
0x65: {  	v3 =	vld [tilespmem:$0x80];
	_ =	sdelay $0x4  }
0x66: {  	v60 =	vshrl.u32 v3, $0x3  }
0x67: {  	v4 =	vmul.u32 $0x18, v60  }
0x68: {  	v3 =	vand.u32 $0x7, v3  }
0x69: {  	v3 =	vor.u32 v3, v4  }
0x6a: {  	v4 =	vperm.xlane v3, v0;
	_ =	sdelay $0x1  }
0x6b: {  	v4 =	vadd.s32 v1, v4;
	_ =	sdelay $0x1  }
0x6c: {  	v3 =	vperm.xlane v3, v2;
	_ =	sdelay $0x1  }
0x6d: {  	v3 =	vadd.s32 v1, v3  }
0x6e: {  	[tilespmem:s14], [sflag:$0x3] =	stream.indirect_vreg.gather [hbm4b:s3+s2], $0x80, v4, vm0, $0xb8;
	[tilespmem:$0xC100] =	vst v63  }
0x6f: {  	_ = 	snop  }
0x70: {  	[tilespmem:s15], [sflag:$0x3] =	stream.indirect_vreg.gather [hbm4b:s4+s2], $0x80, v4, vm1, $0xb8;
	[tilespmem:$0xC100] =	vst v63  }
0x71: {  	_ = 	snop  }
0x72: {  	[tilespmem:s16], [sflag:$0x3] =	stream.indirect_vreg.gather [hbm4b:s3+s2], $0x80, v3, vm0, $0xb8;
	[tilespmem:$0xC100] =	vst v63  }
0x73: {  	_ = 	snop  }
0x74: {  	[tilespmem:s17], [sflag:$0x3] =	stream.indirect_vreg.gather [hbm4b:s4+s2], $0x80, v3, vm1, $0xb8;
	[tilespmem:$0xC100] =	vst v63  }
0x75: {  	v3 =	vld [tilespmem:$0x90];
	_ =	sdelay $0x4  }
0x76: {  	v61 =	vshrl.u32 v3, $0x3  }
0x77: {  	v4 =	vmul.u32 $0x18, v61  }
0x78: {  	v3 =	vand.u32 $0x7, v3  }
0x79: {  	v3 =	vor.u32 v3, v4  }
0x7a: {  	v4 =	vperm.xlane v3, v0;
	_ =	sdelay $0x1  }
0x7b: {  	v4 =	vadd.s32 v1, v4;
	_ =	sdelay $0x1  }
0x7c: {  	v3 =	vperm.xlane v3, v2;
	_ =	sdelay $0x1  }
0x7d: {  	v3 =	vadd.s32 v1, v3  }
0x7e: {  	[tilespmem:s18], [sflag:$0x3] =	stream.indirect_vreg.gather [hbm4b:s3+s2], $0x80, v4, vm0, $0xb8;
	[tilespmem:$0xC100] =	vst v63  }
0x7f: {  	_ = 	snop  }
0x80: {  	[tilespmem:s19], [sflag:$0x3] =	stream.indirect_vreg.gather [hbm4b:s4+s2], $0x80, v4, vm1, $0xb8;
	[tilespmem:$0xC100] =	vst v63  }
0x81: {  	_ = 	snop  }
0x82: {  	[tilespmem:s20], [sflag:$0x3] =	stream.indirect_vreg.gather [hbm4b:s3+s2], $0x80, v3, vm0, $0xb8;
	[tilespmem:$0xC100] =	vst v63  }
0x83: {  	_ = 	snop  }
0x84: {  	[tilespmem:s21], [sflag:$0x3] =	stream.indirect_vreg.gather [hbm4b:s4+s2], $0x80, v3, vm1, $0xb8;
	[tilespmem:$0xC100] =	vst v63  }
0x85: {  	v3 =	vld [tilespmem:$0xA0];
	_ =	sdelay $0x4  }
0x86: {  	v62 =	vshrl.u32 v3, $0x3  }
0x87: {  	v4 =	vmul.u32 $0x18, v62  }
0x88: {  	v3 =	vand.u32 $0x7, v3  }
0x89: {  	v3 =	vor.u32 v3, v4  }
0x8a: {  	v4 =	vperm.xlane v3, v0;
	_ =	sdelay $0x1  }
0x8b: {  	v4 =	vadd.s32 v1, v4;
	_ =	sdelay $0x1  }
0x8c: {  	v3 =	vperm.xlane v3, v2;
	_ =	sdelay $0x1  }
0x8d: {  	v3 =	vadd.s32 v1, v3  }
0x8e: {  	[tilespmem:s22], [sflag:$0x3] =	stream.indirect_vreg.gather [hbm4b:s3+s2], $0x80, v4, vm0, $0xb8;
	[tilespmem:$0xC100] =	vst v63  }
0x8f: {  	_ = 	snop  }
0x90: {  	[tilespmem:s23], [sflag:$0x3] =	stream.indirect_vreg.gather [hbm4b:s4+s2], $0x80, v4, vm1, $0xb8;
	[tilespmem:$0xC100] =	vst v63  }
0x91: {  	_ = 	snop  }
0x92: {  	[tilespmem:s24], [sflag:$0x3] =	stream.indirect_vreg.gather [hbm4b:s3+s2], $0x80, v3, vm0, $0xb8;
	[tilespmem:$0xC100] =	vst v63  }
0x93: {  	_ = 	snop  }
0x94: {  	[tilespmem:s25], [sflag:$0x3] =	stream.indirect_vreg.gather [hbm4b:s4+s2], $0x80, v3, vm1, $0xb8;
	[tilespmem:$0xC100] =	vst v63  }
0x95: {  	v3 =	vld [tilespmem:$0xB0];
	_ =	sdelay $0x4  }
0x96: {  	v63 =	vshrl.u32 v3, $0x3  }
0x97: {  	v4 =	vmul.u32 $0x18, v63  }
0x98: {  	v3 =	vand.u32 $0x7, v3  }
0x99: {  	v3 =	vor.u32 v3, v4  }
0x9a: {  	v4 =	vperm.xlane v3, v0;
	_ =	sdelay $0x1  }
0x9b: {  	v4 =	vadd.s32 v1, v4;
	_ =	sdelay $0x1  }
0x9c: {  	v3 =	vperm.xlane v3, v2;
	_ =	sdelay $0x1  }
0x9d: {  	v3 =	vadd.s32 v1, v3  }
0x9e: {  	[tilespmem:s26], [sflag:$0x3] =	stream.indirect_vreg.gather [hbm4b:s3+s2], $0x80, v4, vm0, $0xb8;
	[tilespmem:$0xC100] =	vst v63  }
0x9f: {  	_ = 	snop  }
0xa0: {  	[tilespmem:s28], [sflag:$0x3] =	stream.indirect_vreg.gather [hbm4b:s4+s2], $0x80, v4, vm1, $0xb8;
	[tilespmem:$0xC100] =	vst v63  }
0xa1: {  	_ = 	snop  }
0xa2: {  	[tilespmem:s29], [sflag:$0x3] =	stream.indirect_vreg.gather [hbm4b:s3+s2], $0x80, v3, vm0, $0xb8;
	[tilespmem:$0xC100] =	vst v63  }
0xa3: {  	_ = 	snop  }
0xa4: {  	[tilespmem:s30], [sflag:$0x3] =	stream.indirect_vreg.gather [hbm4b:s4+s2], $0x80, v3, vm1, $0xb8;
	[tilespmem:$0xC100] =	vst v63  }
0xa5: {  	_ =	swait.ge [sflag:s31], $0x6000  }
0xa6: {  	[sflag:s31] =	ssyncset.done $0x0  }
0xa7: {  	s8 =	rddreg [dreg:$0x5];
	[sflag:s31] =	ssyncadd.s32 $0xFFFFA000  }
0xa8: {  	[hbm4b:s8+s2] =	stream.linear.scatter [tilespmem:s7], [sflag:$0x1], $0x6000, $0x38;
	[tilespmem:$0xC100] =	vst v63  }
0xa9: {  	_ =	swait.ge [sflag:s1], $0x6000  }
0xaa: {  	[sflag:s1] =	ssyncset.done $0x0  }
0xab: {  	s9 =	rddreg [dreg:$0x6];
	[sflag:s1] =	ssyncadd.s32 $0xFFFFA000  }
0xac: {  	[hbm4b:s9+s2] =	stream.linear.scatter [tilespmem:s14], [sflag:$0x3], $0x6000, $0x38;
	[tilespmem:$0xC100] =	vst v63  }
0xad: {  	p0 =	sne.s32 s5, $0x1;
	_ =	swait.ge [sflag:s31], $0x6000  }
.Ltmp0:
0xae: {  	[sflag:s31] =	ssyncset.done $0x0;
	(pc) =	sbr.rel @p0 .LBB2_1-.Ltmp0, $4  }
0xaf: {  	[sflag:s31] =	ssyncadd.s32 $0xFFFFA000  }
0xb0: {  	_ =	swait.ge [sflag:s1], $0x6000  }
0xb1: {  	[sflag:s1] =	ssyncset.done $0x0  }
0xb2: {  	s5 =	sadd.s32 $0xFFFFFFFF, s5;
	[sflag:s1] =	ssyncadd.s32 $0xFFFFA000  }
0xb3: {  	_ =	sfence.sel $0x180000  }
0xb4: {  	[bflag:$0x0] =	sbarrier.arrive $0xFFFF  }
0xb5: {  	_ =	strace $0x9000004A  }
0xb6: {  	s0 =	stileid.u32;
	[bflag:$0x2] =	sbarrier.arrive $0xFFFF  }
0xb7: {  	p0 =	sne.s32 s0, $0x0;
	s0 =	rddreg [dreg:$0x2]  }
0xb8: {  	s0 =	sadd.s32 @!p0 $0x100000, s0  }
0xb9: {  	[sflag:s0] =	ssyncadd.tile.s32 @!p0 $0x1;
	_ =	shalt  }
.Lfunc_end2:
_tile_overlayer_lowered:
.L_overlay_start_2:
0xba: {  	(tag) =	ssettag $0x2  }
0xbb: {  	s0 =	rddreg [dreg:$0x0];
	s2 =	stileid.u32  }
0xbc: {  	s1 =	rddreg [dreg:$0x1];
	p0 =	sne.s32 s2, $0x0  }
0xbd: {  	s3 =	rddreg [dreg:$0x2];
	[bflag:$0x3] =	sbarrier.arrive $0xFFFF;
	s2 =	simm.s32 @!p0 $0x1C04  }
0xbe: {  	[timem:s3], [sflag:s2] =	dma.local @!p0 [hbm:s0], s1  }
0xbf: {  	s0 =	simm.s32 @!p0 $0x4  }
0xc0: {  	_ =	swait.ge @!p0 [sflag:s0], s1  }
0xc1: {  	s1 =	ssub.s32 @!p0 $0x0, s1;
	[sflag:s0] =	ssyncset.done @!p0 $0x0  }
0xc2: {  	[sflag:s0] =	ssyncadd.s32 @!p0 s1  }
0xc3: {  	[bflag:$0x3] =	sbarrier.arrive $0xFFFF  }
0xc4: {  	_ =	shalt  }

// kernel: kernel.7.cloned.1.call-start
scs
__scs_entry_jumppad:
0x0: {  	(pc) =	sbr.rel $0x88, $3  }
0x1: {  	(tag) =	ssettag $0x0;
	lr =	simm.s32 $0x1  }
0x2: {  	[smem:$0x3F9B] =	sst lr;
	_ =	strace $0xD0000000  }
0x3: {  	_ = 	snop  }
0x4: {  	_ = 	snop  }
0x5: {  	_ = 	snop  }
0x6: {  	_ = 	snop  }
0x7: {  	_ = 	snop  }
__scs_overlays_trampoline_lowered:
0x8: {  	[smem:$0x3FAA] =	sst s0  }
0x9: {  	[smem:$0x3FAB] =	sst s1  }
0xa: {  	[smem:$0x3FAC] =	sst s2  }
0xb: {  	[smem:$0x3FAD] =	sst s3  }
0xc: {  	[smem:$0x3FAE] =	sst s4  }
0xd: {  	[smem:$0x3FAF] =	sst s5  }
0xe: {  	[smem:$0x3FB0] =	sst s6  }
0xf: {  	[smem:$0x3FB1] =	sst s7  }
0x10: {  	[smem:$0x3FB2] =	sst s8  }
0x11: {  	[smem:$0x3FB3] =	sst s9;
	s0 =	simm.s32 @!p0 $0x0  }
0x12: {  	s1 =	sld [smem:$0x3F99];
	s0 =	simm.s32 @p0 $0x1  }
0x13: {  	[smem:$0x3FB4] =	sst s0;
	s0 =	simm.s32 @!p1 $0x0  }
0x14: {  	s2 =	sld [smem:$0x3F98];
	s0 =	simm.s32 @p1 $0x1  }
0x15: {  	[smem:$0x3FB5] =	sst s0;
	s0 =	simm.s32 @!p2 $0x0  }
0x16: {  	s3 =	sld [smem:$0x3FDB];
	s0 =	simm.s32 @p2 $0x1  }
0x17: {  	s4 =	simm.s32 $0x1BF5;
	[smem:$0x3FB7] =	sst s0  }
0x18: {  	s0 =	sld [smem:$0x3F9A];
	_ =	swait.ge [sflag:s4], $0x0  }
0x19: {  	s7 =	sld [smem:$0x3F9B]  }
0x1a: {  	s8 =	sadd.s32 $0xFFFFE003, lr  }
0x1b: {  	s9 =	sadd.s32 $0xFFFFFEF7, lr;
	s5 =	simm.s32 $0xFFFFFFFF;
	p2 =	slt.u32 s8, $0xFFFFF086  }
0x1c: {  	p1 =	slt.u32 s9, $0xF7A;
	s5 =	simm.s32 @!p2 $0x0  }
0x1d: {  	s5 =	simm.s32 @p1 $0x1;
	p0 =	seq.s32 s7, s2  }
0x1e: {  	s7 =	smul.u32 @!p0 $0xF7A, s2;
	p2 =	seq.s32 @!p0 s5, $0x0  }
0x1f: {  	s9 =	smul.u32 $0xF7A, s1;
	s8 =	simm.s32 @!p0 $0x1BF5;
	p2 =	por !p2, p0  }
0x20: {  	[sflag:s8] =	ssyncset.s32 @!p0 $0xFFFFF086;
	s6 =	sadd.s32 @!p0 s3, s7;
	s7 =	simm.s32 @!p0 $0x108  }
0x21: {  	s3 =	sadd.s32 s3, s9;
	s6 =	sadd.s32 @!p0 $0x88, s6;
	s7 =	simm.s32 @p2 $0x1082  }
0x22: {  	[simem:s7], [sflag:s8] =	dma.local @!p0 [hbm:s6], $0xF7A  }
0x23: {  	s9 =	sor.u32 $0xD0000000, s2;
	s6 =	simm.s32 $0x108;
	_ =	swait.ge @!p0 [sflag:s8], $0x0  }
0x24: {  	s3 =	sadd.s32 $0x88, s3;
	s6 =	simm.s32 @!p1 $0x1082;
	[sflag:s4] =	ssyncset.s32 $0xFFFFF086  }
0x25: {  	[simem:s6], [sflag:s4] =	dma.local [hbm:s3], $0xF7A  }
0x26: {  	[smem:$0x3F9B] =	sst s1;
	(tag) =	ssettag s2;
	_ =	strace s9  }
0x27: {  	s1 =	sld [smem:$0x3FAB]  }
0x28: {  	s2 =	sld [smem:$0x3FAC]  }
0x29: {  	s4 =	sld [smem:$0x3FAE]  }
0x2a: {  	p0 =	seq.s32 s5, $0x0;
	s5 =	sld [smem:$0x3FAF]  }
0x2b: {  	s6 =	sld [smem:$0x3FB0]  }
0x2c: {  	s7 =	sld [smem:$0x3FB1]  }
0x2d: {  	s3 =	simm.s32 $0x108;
	s8 =	sld [smem:$0x3FB2]  }
0x2e: {  	s3 =	simm.s32 @!p0 $0x1082;
	s9 =	sld [smem:$0x3FB3]  }
0x2f: {  	lr =	sadd.s32 s0, s3;
	s0 =	sld [smem:$0x3FAA]  }
0x30: {  	s3 =	sld [smem:$0x3FAD]  }
0x31: {  	[smem:$0x3FB6] =	sst s10  }
0x32: {  	s10 =	sld [smem:$0x3FB4];
	_ =	sdelay $0x3  }
0x33: {  	p0 =	seq.s32 s10, $0x1;
	s10 =	sld [smem:$0x3FB6];
	_ =	sdelay $0x3  }
0x34: {  	[smem:$0x3FB6] =	sst s10  }
0x35: {  	s10 =	sld [smem:$0x3FB5];
	_ =	sdelay $0x3  }
0x36: {  	p1 =	seq.s32 s10, $0x1;
	s10 =	sld [smem:$0x3FB6];
	_ =	sdelay $0x3  }
0x37: {  	[smem:$0x3FB6] =	sst s10  }
0x38: {  	s10 =	sld [smem:$0x3FB7]  }
0x39: {  	_ = 	snop;
	(pc) =	sbr.ind lr, $3  }
0x3a: {  	_ = 	snop  }
0x3b: {  	_ = 	snop  }
0x3c: {  	p2 =	seq.s32 s10, $0x1;
	s10 =	sld [smem:$0x3FB6]  }
0x3d: {  	_ =	shalt  }
0x3e: {  	_ =	shalt  }
0x3f: {  	_ =	shalt  }
0x40: {  	_ =	shalt  }
0x41: {  	_ =	shalt  }
0x42: {  	_ =	shalt  }
0x43: {  	_ =	shalt  }
0x44: {  	_ =	shalt  }
0x45: {  	_ =	shalt  }
0x46: {  	_ =	shalt  }
0x47: {  	_ =	shalt  }
0x48: {  	_ =	shalt  }
0x49: {  	_ =	shalt  }
0x4a: {  	_ =	shalt  }
0x4b: {  	_ =	shalt  }
0x4c: {  	_ =	shalt  }
0x4d: {  	_ =	shalt  }
0x4e: {  	_ =	shalt  }
0x4f: {  	_ =	shalt  }
0x50: {  	_ =	shalt  }
0x51: {  	_ =	shalt  }
0x52: {  	_ =	shalt  }
0x53: {  	_ =	shalt  }
0x54: {  	_ =	shalt  }
0x55: {  	_ =	shalt  }
0x56: {  	_ =	shalt  }
0x57: {  	_ =	shalt  }
0x58: {  	_ =	shalt  }
0x59: {  	_ =	shalt  }
0x5a: {  	_ =	shalt  }
0x5b: {  	_ =	shalt  }
0x5c: {  	_ =	shalt  }
0x5d: {  	_ =	shalt  }
0x5e: {  	_ =	shalt  }
0x5f: {  	_ =	shalt  }
0x60: {  	_ =	shalt  }
0x61: {  	_ =	shalt  }
0x62: {  	_ =	shalt  }
0x63: {  	_ =	shalt  }
0x64: {  	_ =	shalt  }
0x65: {  	_ =	shalt  }
0x66: {  	_ =	shalt  }
0x67: {  	_ =	shalt  }
0x68: {  	_ =	shalt  }
0x69: {  	_ =	shalt  }
0x6a: {  	_ =	shalt  }
0x6b: {  	_ =	shalt  }
0x6c: {  	_ =	shalt  }
0x6d: {  	_ =	shalt  }
0x6e: {  	_ =	shalt  }
0x6f: {  	_ =	shalt  }
0x70: {  	_ =	shalt  }
0x71: {  	_ =	shalt  }
0x72: {  	_ =	shalt  }
0x73: {  	_ =	shalt  }
0x74: {  	_ =	shalt  }
0x75: {  	_ =	shalt  }
0x76: {  	_ =	shalt  }
0x77: {  	_ =	shalt  }
0x78: {  	_ =	shalt  }
0x79: {  	_ =	shalt  }
0x7a: {  	_ =	shalt  }
0x7b: {  	_ =	shalt  }
0x7c: {  	_ =	shalt  }
0x7d: {  	_ =	shalt  }
0x7e: {  	_ =	shalt  }
0x7f: {  	_ =	shalt  }
0x80: {  	_ =	shalt  }
0x81: {  	_ =	shalt  }
0x82: {  	_ =	shalt  }
0x83: {  	_ =	shalt  }
0x84: {  	_ =	shalt  }
0x85: {  	_ =	shalt  }
0x86: {  	_ =	shalt  }
0x87: {  	_ =	shalt  }
.Lfunc_end0:
.L_simem_size_0:
called_computation_lowered:
.L_overlay_start_0:
0x88: {  	s2 =	sld [smem:$0x3FD9]  }
0x89: {  	s3 =	sld [smem:$0x3FFE];
	_ =	sdelay $0x1  }
0x8a: {  	s1 =	srdreg.scid  }
0x8b: {  	s0 =	sand.u32 $0x1, s1  }
0x8c: {  	s17 =	sshll.u32 s0, $0xA;
	s2 =	sadd.s32 s3, s2  }
0x8d: {  	s2 =	sadd.s32 s2, s17  }
0x8e: {  	[smem:$0x3FC2] =	sst s2  }
0x8f: {  	_ = 	snop  }
0x90: {  	s2 =	sld [smem:$0x3FD0];
	(tm) =	ssettm $0x1  }
0x91: {  	s18 =	sld [smem:$0x3FFB];
	_ =	sdelay $0x3  }
0x92: {  	_ =	strace s18  }
0x93: {  	s3 =	sld [smem:$0x3FFC];
	_ =	sdelay $0x3  }
0x94: {  	_ =	strace s3  }
0x95: {  	s3 =	sld [smem:$0x3FFD];
	_ =	sdelay $0x3  }
0x96: {  	_ =	strace s3  }
0x97: {  	_ =	strace $0x8FFFFFFF  }
0x98: {  	s19 =	sld [smem:$0x3FDB];
	_ =	sdelay $0x1  }
0x99: {  	s4 =	simm.s32 $_scs_section_size  }
0x9a: {  	s5 =	simm.s32 $_size__tile_overlayer_lowered;
	s6 =	simm.s32 $_tile_overlayer_lowered  }
0x9b: {  	s22 =	simm.s32 $0x1BFF;
	s21 =	sshll.u32 s6, $0x1;
	s3 =	sadd.s32 s4, s19  }
0x9c: {  	s7 =	simm.s32 $0x0;
	s20 =	sshll.u32 s5, $0x1;
	s5 =	sadd.s32 s21, s3  }
0x9d: {  	[timem:s7], [sflag:s22] =	dma.local [hbm:s5], s20  }
0x9e: {  	_ =	swait.ge [sflag:s22], s20  }
0x9f: {  	s4 =	ssub.s32 $0x0, s20;
	[sflag:s22] =	ssyncset.done $0x0  }
0xa0: {  	[sflag:s22] =	ssyncadd.s32 s4;
	_ =	sdelay $0x1  }
0xa1: {  	s23 =	simm.s32 $0x1B8B  }
0xa2: {  	_ =	swait.ge [sflag:s23], $0x1  }
0xa3: {  	[sflag:s23] =	ssyncset.done $0x0  }
0xa4: {  	s25 =	simm.s32 $0x1B8E;
	s24 =	sld [smem:$0x3FFE];
	[sflag:s23] =	ssyncadd.s32 $0xFFFFFFFF  }
0xa5: {  	s26 =	simm.s32 $execute0_lowered;
	[smem:$0x3FD2] =	sst s25  }
0xa6: {  	s5 =	sshll.u32 s26, $0x1;
	_ =	strace $0x80000046;
	[dreg:$0x1] =	wrdreg $0xFFFFFFFF  }
0xa7: {  	s28 =	simm.s32 $_size_execute0_lowered;
	s3 =	sadd.s32 s3, s5;
	[dreg:$0x0] =	wrdreg $0x0  }
0xa8: {  	s5 =	sshll.u32 s28, $0x1;
	[dreg:$0x2] =	wrdreg s3  }
0xa9: {  	[dreg:$0x3] =	wrdreg s5  }
0xaa: {  	[dreg:$0x4] =	wrdreg $0xC0  }
0xab: {  	_ =	task [dreg:s7], $0x5FFFF  }
0xac: {  	[dreg:$0x1] =	wrdreg $0xFFFFFFFF  }
0xad: {  	[dreg:$0x0] =	wrdreg $0x60  }
0xae: {  	[dreg:$0x2] =	wrdreg s2  }
0xaf: {  	[dreg:$0x3] =	wrdreg s24  }
0xb0: {  	[dreg:$0x4] =	wrdreg $0x9  }
0xb1: {  	_ =	task.clear_ibuf [dreg:s7], $0x5FFFF;
	_ =	strace $0x90000046  }
0xb2: {  	s29 =	simm.s32 $0x9;
	_ =	strace $0x80000048  }
0xb3: {  	_ =	swait.ge [sflag:s29], $0x1  }
0xb4: {  	[sflag:s29] =	ssyncadd.s32 $0xFFFFFFFF  }
0xb5: {  	_ =	strace $0x90000048  }
0xb6: {  	_ =	sfence  }
0xb7: {  	s30 =	sld [smem:$0x0];
	_ =	sdelay $0x2  }
0xb8: {  	s31 =	sshll.u32 s1, $0xD;
	s1 =	sshrl.u32 s1, $0x2  }
0xb9: {  	s3 =	sand.u32 $0x4000, s31;
	s1 =	sadd.s32 s1, s30  }
0xba: {  	s0 =	sor.u32 s3, s0;
	s1 =	sshll.u32 s1, $0x11  }
0xbb: {  	s0 =	sor.u32 s1, s0  }
0xbc: {  	s0 =	sadd.s32 $0x8F2B, s0  }
0xbd: {  	[sflag:s0] =	ssyncadd.remote.s32 $0x1  }
0xbe: {  	_ =	sfence.sel $0xFFFF  }
0xbf: {  	[dreg:$0x0] =	wrdreg $0xFFFFFFFF;
	(pc) =	sbr.abs _section_cstart, $3  }
0xc0: {  	[dreg:$0x1] =	wrdreg $0xFFFFFFFF  }
0xc1: {  	_ =	task.clear_ibuf [dreg:s7], $0x2FFFF;
	_ =	strace $0x9FFFFFFF  }
0xc2: {  	(tm) =	ssettm $0x7FFFFFFF  }
0xc3: {  	_ =	shalt  }
tec
execute0_lowered:
.L_overlay_start_1:
0x0: {  	(tag) =	ssettag $0x1  }
0x1: {  	s6 =	rddreg [dreg:$0x0]  }
0x2: {  	s7 =	rddreg [dreg:$0x1]  }
0x3: {  	s0 =	rddreg [dreg:$0x2];
	s3 =	srdreg.scid  }
0x4: {  	s1 =	stileid.u32;
	s2 =	simm.s32 $0x0;
	s11 =	simm.s32 $0x2  }
0x5: {  	s12 =	simm.s32 $0x1;
	s13 =	simm.s32 $0x800;
	s14 =	simm.s32 $0xC00  }
0x6: {  	s15 =	simm.s32 $0x1400;
	s16 =	simm.s32 $0x1800;
	s17 =	simm.s32 $0x2000  }
0x7: {  	s18 =	simm.s32 $0x2400;
	s19 =	simm.s32 $0x2C00;
	s20 =	simm.s32 $0x3000  }
0x8: {  	s21 =	simm.s32 $0x3800;
	s22 =	simm.s32 $0x3C00;
	s23 =	simm.s32 $0x4400  }
0x9: {  	s24 =	simm.s32 $0x4800;
	s25 =	simm.s32 $0x5000;
	s26 =	simm.s32 $0x5400  }
0xa: {  	s28 =	simm.s32 $0x5C00;
	s3 =	sand.u32 $0x1, s3;
	s4 =	sshll.u32 s1, $0x1  }
0xb: {  	s29 =	simm.s32 $0x3;
	[smem:$0x7FF] =	sst s2;
	s4 =	sor.u32 s3, s4  }
0xc: {  	_ =	strace $0x80000047;
	s8 =	ssub.s32 $0x2, s3;
	s3 =	sadd.s32 $0x1A00, s7  }
0xd: {  	s5 =	sshll.u32 s4, $0x4;
	s9 =	sshrl.u32 s8, $0x1;
	s10 =	smul.u32 $0xC00, s4  }
0xe: {  	v2 =	vlaneseq.u32;
	s5 =	sadd.s32 s5, s7;
	s8 =	ssub.s32 s8, s9;
	s7 =	sadd.s32 $0x1B00, s7  }
0xf: {  	vm0 =	vmmov $0xffff;
	vm1 =	vmmov $0xff;
	v1 =	vshrl.u32 v2, $0x3;
	s9 =	simm.s32 $0x6000;
	s4 =	sadd.s32 $0x1800, s5;
	s5 =	sadd.s32 $0x1600, s5  }
0x10: {  	v0 =	vand.u32 $0x7, v2;
	v2 =	vor.u32 $0x8, v2;
	v1 =	vmul.u32 $0x8, v1;
	s6 =	sadd.s32 s6, s10;
	s8 =	smax.u32 s8, $0x1;
	s10 =	simm.s32 $0x6080  }
.LBB2_1:
0x11: {  	[tilespmem:s9], [sflag:$0x2] =	stream.linear.gather [hbm4b:s4+s2], $0x80, $0x38;
	[tilespmem:$0x6100] =	vst v63  }
0x12: {  	_ = 	snop  }
0x13: {  	[tilespmem:s10], [sflag:$0x2] =	stream.linear.gather [hbm4b:s5+s2], $0x80, $0x38;
	[tilespmem:$0x6100] =	vst v63  }
0x14: {  	_ = 	snop  }
0x15: {  	[tilespmem:s2], [sflag:$0x1] =	stream.linear.gather [hbm4b:s6+s2], $0x6000, $0x38;
	[tilespmem:$0x6100] =	vst v63  }
0x16: {  	_ =	swait.ge [sflag:s11], $0x80  }
0x17: {  	[sflag:s11] =	ssyncset.done $0x0  }
0x18: {  	[sflag:s11] =	ssyncadd.s32 $0xFFFFFF80  }
0x19: {  	_ =	swait.ge [sflag:s11], $0x80  }
0x1a: {  	[sflag:s11] =	ssyncset.done $0x0  }
0x1b: {  	[sflag:s11] =	ssyncadd.s32 $0xFFFFFF80  }
0x1c: {  	_ =	swait.ge [sflag:s12], $0x6000  }
0x1d: {  	[sflag:s12] =	ssyncset.done $0x0  }
0x1e: {  	[sflag:s12] =	ssyncadd.s32 $0xFFFFA000  }
0x1f: {  	v3 =	vld [tilespmem:$0x6000];
	_ =	sdelay $0x4  }
0x20: {  	v4 =	vshrl.u32 v3, $0x3  }
0x21: {  	v4 =	vmul.u32 $0x18, v4  }
0x22: {  	v3 =	vand.u32 $0x7, v3  }
0x23: {  	v3 =	vor.u32 v3, v4  }
0x24: {  	v4 =	vperm.xlane v3, v0;
	_ =	sdelay $0x1  }
0x25: {  	v4 =	vadd.s32 v1, v4;
	_ =	sdelay $0x1  }
0x26: {  	v3 =	vperm.xlane v3, v2;
	_ =	sdelay $0x1  }
0x27: {  	v3 =	vadd.s32 v1, v3  }
0x28: {  	[hbm4b:s3+s2] =	stream.indirect_vreg.scatter [tilespmem:s2], [sflag:$0x1], $0x80, v4, vm0, $0xb8;
	[tilespmem:$0x6100] =	vst v63  }
0x29: {  	_ = 	snop  }
0x2a: {  	[hbm4b:s7+s2] =	stream.indirect_vreg.scatter [tilespmem:s13], [sflag:$0x1], $0x80, v4, vm1, $0xb8;
	[tilespmem:$0x6100] =	vst v63  }
0x2b: {  	_ = 	snop  }
0x2c: {  	[hbm4b:s3+s2] =	stream.indirect_vreg.scatter [tilespmem:s14], [sflag:$0x1], $0x80, v3, vm0, $0xb8;
	[tilespmem:$0x6100] =	vst v63  }
0x2d: {  	_ = 	snop  }
0x2e: {  	[hbm4b:s7+s2] =	stream.indirect_vreg.scatter [tilespmem:s15], [sflag:$0x1], $0x80, v3, vm1, $0xb8;
	[tilespmem:$0x6100] =	vst v63  }
0x2f: {  	v3 =	vld [tilespmem:$0x6010];
	_ =	sdelay $0x4  }
0x30: {  	v57 =	vshrl.u32 v3, $0x3  }
0x31: {  	v4 =	vmul.u32 $0x18, v57  }
0x32: {  	v3 =	vand.u32 $0x7, v3  }
0x33: {  	v3 =	vor.u32 v3, v4  }
0x34: {  	v4 =	vperm.xlane v3, v0;
	_ =	sdelay $0x1  }
0x35: {  	v4 =	vadd.s32 v1, v4;
	_ =	sdelay $0x1  }
0x36: {  	v3 =	vperm.xlane v3, v2;
	_ =	sdelay $0x1  }
0x37: {  	v3 =	vadd.s32 v1, v3  }
0x38: {  	[hbm4b:s3+s2] =	stream.indirect_vreg.scatter [tilespmem:s16], [sflag:$0x1], $0x80, v4, vm0, $0xb8;
	[tilespmem:$0x6100] =	vst v63  }
0x39: {  	_ = 	snop  }
0x3a: {  	[hbm4b:s7+s2] =	stream.indirect_vreg.scatter [tilespmem:s17], [sflag:$0x1], $0x80, v4, vm1, $0xb8;
	[tilespmem:$0x6100] =	vst v63  }
0x3b: {  	_ = 	snop  }
0x3c: {  	[hbm4b:s3+s2] =	stream.indirect_vreg.scatter [tilespmem:s18], [sflag:$0x1], $0x80, v3, vm0, $0xb8;
	[tilespmem:$0x6100] =	vst v63  }
0x3d: {  	_ = 	snop  }
0x3e: {  	[hbm4b:s7+s2] =	stream.indirect_vreg.scatter [tilespmem:s19], [sflag:$0x1], $0x80, v3, vm1, $0xb8;
	[tilespmem:$0x6100] =	vst v63  }
0x3f: {  	v3 =	vld [tilespmem:$0x6020];
	_ =	sdelay $0x4  }
0x40: {  	v58 =	vshrl.u32 v3, $0x3  }
0x41: {  	v4 =	vmul.u32 $0x18, v58  }
0x42: {  	v3 =	vand.u32 $0x7, v3  }
0x43: {  	v3 =	vor.u32 v3, v4  }
0x44: {  	v4 =	vperm.xlane v3, v0;
	_ =	sdelay $0x1  }
0x45: {  	v4 =	vadd.s32 v1, v4;
	_ =	sdelay $0x1  }
0x46: {  	v3 =	vperm.xlane v3, v2;
	_ =	sdelay $0x1  }
0x47: {  	v3 =	vadd.s32 v1, v3  }
0x48: {  	[hbm4b:s3+s2] =	stream.indirect_vreg.scatter [tilespmem:s20], [sflag:$0x1], $0x80, v4, vm0, $0xb8;
	[tilespmem:$0x6100] =	vst v63  }
0x49: {  	_ = 	snop  }
0x4a: {  	[hbm4b:s7+s2] =	stream.indirect_vreg.scatter [tilespmem:s21], [sflag:$0x1], $0x80, v4, vm1, $0xb8;
	[tilespmem:$0x6100] =	vst v63  }
0x4b: {  	_ = 	snop  }
0x4c: {  	[hbm4b:s3+s2] =	stream.indirect_vreg.scatter [tilespmem:s22], [sflag:$0x1], $0x80, v3, vm0, $0xb8;
	[tilespmem:$0x6100] =	vst v63  }
0x4d: {  	_ = 	snop  }
0x4e: {  	[hbm4b:s7+s2] =	stream.indirect_vreg.scatter [tilespmem:s23], [sflag:$0x1], $0x80, v3, vm1, $0xb8;
	[tilespmem:$0x6100] =	vst v63  }
0x4f: {  	v3 =	vld [tilespmem:$0x6030];
	_ =	sdelay $0x4  }
0x50: {  	v59 =	vshrl.u32 v3, $0x3  }
0x51: {  	v4 =	vmul.u32 $0x18, v59  }
0x52: {  	v3 =	vand.u32 $0x7, v3  }
0x53: {  	v3 =	vor.u32 v3, v4  }
0x54: {  	v4 =	vperm.xlane v3, v0;
	_ =	sdelay $0x1  }
0x55: {  	v4 =	vadd.s32 v1, v4;
	_ =	sdelay $0x1  }
0x56: {  	v3 =	vperm.xlane v3, v2;
	_ =	sdelay $0x1  }
0x57: {  	v3 =	vadd.s32 v1, v3  }
0x58: {  	[hbm4b:s3+s2] =	stream.indirect_vreg.scatter [tilespmem:s24], [sflag:$0x1], $0x80, v4, vm0, $0xb8;
	[tilespmem:$0x6100] =	vst v63  }
0x59: {  	_ = 	snop  }
0x5a: {  	[hbm4b:s7+s2] =	stream.indirect_vreg.scatter [tilespmem:s25], [sflag:$0x1], $0x80, v4, vm1, $0xb8;
	[tilespmem:$0x6100] =	vst v63  }
0x5b: {  	_ = 	snop  }
0x5c: {  	[hbm4b:s3+s2] =	stream.indirect_vreg.scatter [tilespmem:s26], [sflag:$0x1], $0x80, v3, vm0, $0xb8;
	[tilespmem:$0x6100] =	vst v63  }
0x5d: {  	_ = 	snop  }
0x5e: {  	[hbm4b:s7+s2] =	stream.indirect_vreg.scatter [tilespmem:s28], [sflag:$0x1], $0x80, v3, vm1, $0xb8;
	[tilespmem:$0x6100] =	vst v63  }
0x5f: {  	v3 =	vld [tilespmem:$0x6080];
	_ =	sdelay $0x4  }
0x60: {  	v60 =	vshrl.u32 v3, $0x3  }
0x61: {  	v4 =	vmul.u32 $0x18, v60  }
0x62: {  	v3 =	vand.u32 $0x7, v3  }
0x63: {  	v3 =	vor.u32 v3, v4  }
0x64: {  	v4 =	vperm.xlane v3, v0;
	_ =	sdelay $0x1  }
0x65: {  	v4 =	vadd.s32 v1, v4;
	_ =	sdelay $0x1  }
0x66: {  	v3 =	vperm.xlane v3, v2;
	_ =	sdelay $0x1  }
0x67: {  	v3 =	vadd.s32 v1, v3  }
0x68: {  	[hbm4b:s3+s2] =	stream.indirect_vreg.scatter [tilespmem:s2], [sflag:$0x3], $0x80, v4, vm0, $0xb8;
	[tilespmem:$0x6100] =	vst v63  }
0x69: {  	_ = 	snop  }
0x6a: {  	[hbm4b:s7+s2] =	stream.indirect_vreg.scatter [tilespmem:s13], [sflag:$0x3], $0x80, v4, vm1, $0xb8;
	[tilespmem:$0x6100] =	vst v63  }
0x6b: {  	_ = 	snop  }
0x6c: {  	[hbm4b:s3+s2] =	stream.indirect_vreg.scatter [tilespmem:s14], [sflag:$0x3], $0x80, v3, vm0, $0xb8;
	[tilespmem:$0x6100] =	vst v63  }
0x6d: {  	_ = 	snop  }
0x6e: {  	[hbm4b:s7+s2] =	stream.indirect_vreg.scatter [tilespmem:s15], [sflag:$0x3], $0x80, v3, vm1, $0xb8;
	[tilespmem:$0x6100] =	vst v63  }
0x6f: {  	v3 =	vld [tilespmem:$0x6090];
	_ =	sdelay $0x4  }
0x70: {  	v61 =	vshrl.u32 v3, $0x3  }
0x71: {  	v4 =	vmul.u32 $0x18, v61  }
0x72: {  	v3 =	vand.u32 $0x7, v3  }
0x73: {  	v3 =	vor.u32 v3, v4  }
0x74: {  	v4 =	vperm.xlane v3, v0;
	_ =	sdelay $0x1  }
0x75: {  	v4 =	vadd.s32 v1, v4;
	_ =	sdelay $0x1  }
0x76: {  	v3 =	vperm.xlane v3, v2;
	_ =	sdelay $0x1  }
0x77: {  	v3 =	vadd.s32 v1, v3  }
0x78: {  	[hbm4b:s3+s2] =	stream.indirect_vreg.scatter [tilespmem:s16], [sflag:$0x3], $0x80, v4, vm0, $0xb8;
	[tilespmem:$0x6100] =	vst v63  }
0x79: {  	_ = 	snop  }
0x7a: {  	[hbm4b:s7+s2] =	stream.indirect_vreg.scatter [tilespmem:s17], [sflag:$0x3], $0x80, v4, vm1, $0xb8;
	[tilespmem:$0x6100] =	vst v63  }
0x7b: {  	_ = 	snop  }
0x7c: {  	[hbm4b:s3+s2] =	stream.indirect_vreg.scatter [tilespmem:s18], [sflag:$0x3], $0x80, v3, vm0, $0xb8;
	[tilespmem:$0x6100] =	vst v63  }
0x7d: {  	_ = 	snop  }
0x7e: {  	[hbm4b:s7+s2] =	stream.indirect_vreg.scatter [tilespmem:s19], [sflag:$0x3], $0x80, v3, vm1, $0xb8;
	[tilespmem:$0x6100] =	vst v63  }
0x7f: {  	v3 =	vld [tilespmem:$0x60A0];
	_ =	sdelay $0x4  }
0x80: {  	v62 =	vshrl.u32 v3, $0x3  }
0x81: {  	v4 =	vmul.u32 $0x18, v62  }
0x82: {  	v3 =	vand.u32 $0x7, v3  }
0x83: {  	v3 =	vor.u32 v3, v4  }
0x84: {  	v4 =	vperm.xlane v3, v0;
	_ =	sdelay $0x1  }
0x85: {  	v4 =	vadd.s32 v1, v4;
	_ =	sdelay $0x1  }
0x86: {  	v3 =	vperm.xlane v3, v2;
	_ =	sdelay $0x1  }
0x87: {  	v3 =	vadd.s32 v1, v3  }
0x88: {  	[hbm4b:s3+s2] =	stream.indirect_vreg.scatter [tilespmem:s20], [sflag:$0x3], $0x80, v4, vm0, $0xb8;
	[tilespmem:$0x6100] =	vst v63  }
0x89: {  	_ = 	snop  }
0x8a: {  	[hbm4b:s7+s2] =	stream.indirect_vreg.scatter [tilespmem:s21], [sflag:$0x3], $0x80, v4, vm1, $0xb8;
	[tilespmem:$0x6100] =	vst v63  }
0x8b: {  	_ = 	snop  }
0x8c: {  	[hbm4b:s3+s2] =	stream.indirect_vreg.scatter [tilespmem:s22], [sflag:$0x3], $0x80, v3, vm0, $0xb8;
	[tilespmem:$0x6100] =	vst v63  }
0x8d: {  	_ = 	snop  }
0x8e: {  	[hbm4b:s7+s2] =	stream.indirect_vreg.scatter [tilespmem:s23], [sflag:$0x3], $0x80, v3, vm1, $0xb8;
	[tilespmem:$0x6100] =	vst v63  }
0x8f: {  	v3 =	vld [tilespmem:$0x60B0];
	_ =	sdelay $0x4  }
0x90: {  	v63 =	vshrl.u32 v3, $0x3  }
0x91: {  	v4 =	vmul.u32 $0x18, v63  }
0x92: {  	v3 =	vand.u32 $0x7, v3  }
0x93: {  	v3 =	vor.u32 v3, v4  }
0x94: {  	v4 =	vperm.xlane v3, v0;
	_ =	sdelay $0x1  }
0x95: {  	v4 =	vadd.s32 v1, v4;
	_ =	sdelay $0x1  }
0x96: {  	v3 =	vperm.xlane v3, v2;
	_ =	sdelay $0x1  }
0x97: {  	v3 =	vadd.s32 v1, v3  }
0x98: {  	[hbm4b:s3+s2] =	stream.indirect_vreg.scatter [tilespmem:s24], [sflag:$0x3], $0x80, v4, vm0, $0xb8;
	[tilespmem:$0x6100] =	vst v63  }
0x99: {  	_ = 	snop  }
0x9a: {  	[hbm4b:s7+s2] =	stream.indirect_vreg.scatter [tilespmem:s25], [sflag:$0x3], $0x80, v4, vm1, $0xb8;
	[tilespmem:$0x6100] =	vst v63  }
0x9b: {  	_ = 	snop  }
0x9c: {  	[hbm4b:s3+s2] =	stream.indirect_vreg.scatter [tilespmem:s26], [sflag:$0x3], $0x80, v3, vm0, $0xb8;
	[tilespmem:$0x6100] =	vst v63  }
0x9d: {  	_ = 	snop  }
0x9e: {  	[hbm4b:s7+s2] =	stream.indirect_vreg.scatter [tilespmem:s28], [sflag:$0x3], $0x80, v3, vm1, $0xb8;
	[tilespmem:$0x6100] =	vst v63  }
0x9f: {  	p0 =	sne.s32 s8, $0x1;
	_ =	swait.ge [sflag:s12], $0x6000  }
.Ltmp0:
0xa0: {  	[sflag:s12] =	ssyncset.done $0x0;
	(pc) =	sbr.rel @p0 .LBB2_1-.Ltmp0, $4  }
0xa1: {  	[sflag:s12] =	ssyncadd.s32 $0xFFFFA000  }
0xa2: {  	_ =	swait.ge [sflag:s29], $0x6000  }
0xa3: {  	[sflag:s29] =	ssyncset.done $0x0  }
0xa4: {  	s8 =	sadd.s32 $0xFFFFFFFF, s8;
	[sflag:s29] =	ssyncadd.s32 $0xFFFFA000  }
0xa5: {  	_ =	sfence.sel $0x180000  }
0xa6: {  	[bflag:$0x0] =	sbarrier.arrive $0xFFFF  }
0xa7: {  	p0 =	sne.s32 s1, $0x0;
	_ =	strace $0x90000047  }
0xa8: {  	s0 =	sadd.s32 @!p0 $0x100000, s0;
	[bflag:$0x2] =	sbarrier.arrive $0xFFFF  }
0xa9: {  	[sflag:s0] =	ssyncadd.tile.s32 @!p0 $0x1;
	_ =	shalt  }
.Lfunc_end2:
_tile_overlayer_lowered:
.L_overlay_start_2:
0xaa: {  	(tag) =	ssettag $0x2  }
0xab: {  	s0 =	rddreg [dreg:$0x0];
	s2 =	stileid.u32  }
0xac: {  	s1 =	rddreg [dreg:$0x1];
	p0 =	sne.s32 s2, $0x0  }
0xad: {  	s3 =	rddreg [dreg:$0x2];
	[bflag:$0x3] =	sbarrier.arrive $0xFFFF;
	s2 =	simm.s32 @!p0 $0x1C04  }
0xae: {  	[timem:s3], [sflag:s2] =	dma.local @!p0 [hbm:s0], s1  }
0xaf: {  	s0 =	simm.s32 @!p0 $0x4  }
0xb0: {  	_ =	swait.ge @!p0 [sflag:s0], s1  }
0xb1: {  	s1 =	ssub.s32 @!p0 $0x0, s1;
	[sflag:s0] =	ssyncset.done @!p0 $0x0  }
0xb2: {  	[sflag:s0] =	ssyncadd.s32 @!p0 s1  }
0xb3: {  	[bflag:$0x3] =	sbarrier.arrive $0xFFFF  }
0xb4: {  	_ =	shalt  }

</sc_bundles>
